<compile_context>
chip_gen: v7x
topology: tpu7x:2x2x1
jax: 0.10.2.dev20260603
libtpu: 0.0.44.dev20260713+nightly
codegen_flags: <defaults>
</compile_context>

<pallas_src>
import functools

import jax
import jax.numpy as jnp
from jax import lax
from jax.experimental import pallas as pl
from jax.experimental.pallas import tpu as pltpu
from jax.experimental.pallas import tpu_sc as plsc

N = 10000
E = 320000
D = 128

NC = 2
NS = 16
NW = NC * NS
CH = 128
NCHUNK = 80
SEG = 20
NSEG = NCHUNK // SEG
EPAD = NW * NCHUNK * CH
NPAD = 10112
STRIPE = NPAD // NS


def _sc_aggregate(x, xh, srcs, dsts):
    mesh = plsc.VectorSubcoreMesh(core_axis_name="c", subcore_axis_name="s")

    @functools.partial(
        pl.kernel,
        out_type=jax.ShapeDtypeStruct((NC, NPAD, D), jnp.float32),
        mesh=mesh,
        scratch_types=[
            pltpu.VMEM((2, SEG, CH), jnp.int32),
            pltpu.VMEM((2, SEG, CH), jnp.int32),
            pltpu.VMEM((CH, D), jnp.float32),
            pltpu.VMEM((CH, D), jnp.float32),
            pltpu.VMEM_SHARED((NPAD, D), jnp.float32),
            pltpu.SemaphoreType.DMA,
            pltpu.SemaphoreType.DMA,
            pltpu.SemaphoreType.DMA,
        ],
    )
    def k(x_hbm, xh_hbm, src_hbm, dst_hbm, out_hbm,
          src_v, dst_v, buf_a, buf_b, agg, sem_a, sem_b, sem_i):
        c = lax.axis_index("c")
        s = lax.axis_index("s")
        wid = c * NS + s
        stripe = pl.ds(s * STRIPE, STRIPE)
        pltpu.sync_copy(xh_hbm.at[stripe], agg.at[stripe])
        pltpu.async_copy(src_hbm.at[wid].at[0], src_v.at[0], sem_i)
        pltpu.async_copy(dst_hbm.at[wid].at[0], dst_v.at[0], sem_i)
        plsc.subcore_barrier()

        def wait_idx():
            pltpu.make_async_copy(src_hbm.at[0].at[0], src_v.at[0], sem_i).wait()
            pltpu.make_async_copy(dst_hbm.at[0].at[0], dst_v.at[0], sem_i).wait()

        def gather(src_row, buf, sem):
            pltpu.async_copy(x_hbm.at[src_row], buf, sem)

        def wait_gather(buf, sem):
            pltpu.make_async_copy(x_hbm.at[src_v.at[0].at[0]], buf, sem).wait()

        def segment(t, bank, next_bank):
            sv = src_v.at[bank]
            dv = dst_v.at[bank]
            wait_idx()

            @pl.when(t + 1 < NSEG)
            def _():
                pltpu.async_copy(src_hbm.at[wid].at[t + 1],
                                 src_v.at[next_bank], sem_i)
                pltpu.async_copy(dst_hbm.at[wid].at[t + 1],
                                 dst_v.at[next_bank], sem_i)

            gather(sv.at[0], buf_a, sem_a)
            gather(sv.at[1], buf_b, sem_b)

            @pl.loop(0, SEG // 2)
            def _(p):
                j = 2 * p
                wait_gather(buf_a, sem_a)
                pltpu.sync_copy(buf_a, agg.at[dv.at[j]], add=True)

                @pl.when(j + 2 < SEG)
                def _():
                    gather(sv.at[j + 2], buf_a, sem_a)

                wait_gather(buf_b, sem_b)
                pltpu.sync_copy(buf_b, agg.at[dv.at[j + 1]], add=True)

                @pl.when(j + 3 < SEG)
                def _():
                    gather(sv.at[j + 3], buf_b, sem_b)

        @pl.loop(0, NSEG // 2)
        def _(q):
            segment(2 * q, 0, 1)
            segment(2 * q + 1, 1, 0)

        plsc.subcore_barrier()
        pltpu.sync_copy(agg.at[stripe], out_hbm.at[c].at[stripe])

    return k(x, xh, srcs, dsts)


def _tc_mlp(partials, W1, b1, g1, be1, W2, b2, g2, be2, g3, be3, Wf, bf):
    eps = 1e-5

    def body(p_ref, W1_ref, b1_ref, g1_ref, be1_ref, W2_ref, b2_ref, g2_ref,
             be2_ref, g3_ref, be3_ref, Wf_ref, bf_ref, out_ref):
        def bn(y, g, b):
            m = jnp.mean(y, axis=0, keepdims=True)
            v = jnp.mean((y - m) ** 2, axis=0, keepdims=True)
            return (y - m) * lax.rsqrt(v + eps) * g + b

        def mm(a, wt):
            return jnp.dot(a, wt, preferred_element_type=jnp.float32)

        h = p_ref[0, :N] + p_ref[1, :N]
        y = jnp.maximum(bn(mm(h, W1_ref[...]) + b1_ref[...],
                           g1_ref[...], be1_ref[...]), 0.0)
        y = bn(mm(y, W2_ref[...]) + b2_ref[...], g2_ref[...], be2_ref[...])
        y = jnp.maximum(bn(y, g3_ref[...], be3_ref[...]), 0.0)
        out_ref[...] = mm(y, Wf_ref[...]) + bf_ref[...]

    vecs = [v.reshape(1, -1) for v in (b1, g1, be1, b2, g2, be2, g3, be3, bf)]
    b1, g1, be1, b2, g2, be2, g3, be3, bf = vecs
    W1, W2, Wf = W1.T, W2.T, Wf.T
    return pl.pallas_call(
        body,
        out_shape=jax.ShapeDtypeStruct((N, Wf.shape[0]), jnp.float32),
    )(partials, W1, b1, g1, be1, W2, b2, g2, be2, g3, be3, Wf, bf)


def kernel(x, edge_index, W1, b1, g1, be1, W2, b2, g2, be2, g3, be3, Wf, bf):
    pad = EPAD - E
    ar = jnp.arange(pad, dtype=jnp.int32)
    src = jnp.concatenate([edge_index[0].astype(jnp.int32), (ar * 37) % N])
    dst = jnp.concatenate([edge_index[1].astype(jnp.int32),
                           N + ar % (NPAD - N)])
    src = src.reshape(NW, NSEG, SEG, CH)
    dst = dst.reshape(NW, NSEG, SEG, CH)
    xh = jnp.pad(x * 0.5, ((0, NPAD - N), (0, 0)))
    partials = _sc_aggregate(x, xh, src, dst)
    return _tc_mlp(partials, W1, b1, g1, be1, W2, b2, g2, be2, g3, be3, Wf, bf)

# --- scband reference (transcript-rebuilt; emitter-appended) ---
"""Pipeline reference for scband-gated-ginmodel-64682207478382 (READ-ONLY COPY).

The authoritative reference and input builder live on the scoring server;
editing this copy changes nothing except your own understanding.
"""

import jax, jax.numpy as jnp
import numpy as np

N = 10000
E = 320000
D = 128
H = 128
O = 128

def _bn(x, g, b, eps=1e-5):
    m = jnp.mean(x, axis=0)
    v = jnp.var(x, axis=0)
    return (x - m) / jnp.sqrt(v + eps) * g + b

def setup_inputs(seed: int = 0) -> dict:
    key = jax.random.key(seed)
    ks = jax.random.split(key, 8)
    x = jax.random.normal(ks[0], (N, D), dtype=jnp.float32)
    edge_index = jax.random.randint(ks[1], (2, E), 0, N, dtype=jnp.int64)
    W1 = jax.random.normal(ks[2], (H, D), dtype=jnp.float32) * 0.05
    b1 = jnp.zeros((H,), dtype=jnp.float32)
    g1 = jnp.ones((H,), dtype=jnp.float32)
    be1 = jnp.zeros((H,), dtype=jnp.float32)
    W2 = jax.random.normal(ks[3], (H, H), dtype=jnp.float32) * 0.05
    b2 = jnp.zeros((H,), dtype=jnp.float32)
    g2 = jnp.ones((H,), dtype=jnp.float32)
    be2 = jnp.zeros((H,), dtype=jnp.float32)
    g3 = jnp.ones((H,), dtype=jnp.float32)
    be3 = jnp.zeros((H,), dtype=jnp.float32)
    Wf = jax.random.normal(ks[4], (O, H), dtype=jnp.float32) * 0.05
    bf = jnp.zeros((O,), dtype=jnp.float32)
    return {"x": x, "edge_index": edge_index, "W1": W1, "b1": b1, "g1": g1, "be1": be1,
            "W2": W2, "b2": b2, "g2": g2, "be2": be2, "g3": g3, "be3": be3, "Wf": Wf, "bf": bf}

def reference(x, edge_index, W1, b1, g1, be1, W2, b2, g2, be2, g3, be3, Wf, bf):
    src = edge_index[0]
    dst = edge_index[1]
    # GINConv: h = MLP((1+eps)*x + sum_{j in N(i)} x_j), eps=0
    agg = jax.ops.segment_sum(jnp.take(x, src, axis=0), dst, num_segments=x.shape[0])
    h = x + agg
    # MLP: relu(bn1(fc1(h))) -> bn2(fc2(.)) (SyncBatchNorm in training mode -> batch stats)
    h = jnp.maximum(_bn(h @ W1.T + b1, g1, be1), 0.0)
    h = _bn(h @ W2.T + b2, g2, be2)
    # outer BN + relu
    h = jnp.maximum(_bn(h, g3, be3), 0.0)
    # final linear
    out = h @ Wf.T + bf
    return out

if __name__ == "__main__":
    import jax
    _d = setup_inputs()
    print(jax.jit(kernel)(*tuple(_d.values())))

</pallas_src>

<mosaic_0001>
#map = affine_map<(d0, d1) -> (0, 0)>
#map1 = affine_map<(d0, d1) -> (0, 0, 0, 0)>
#map2 = affine_map<(d0, d1) -> (0, 0, 0)>
module attributes {stable_mosaic.version = 14 : i64} {
  func.func @k(%arg0: i32, %arg1: i32, %arg2: memref<10000x128xf32, #tpu.memory_space<hbm>>, %arg3: memref<10112x128xf32, #tpu.memory_space<hbm>>, %arg4: memref<32x4x20x128xi32, #tpu.memory_space<hbm>>, %arg5: memref<32x4x20x128xi32, #tpu.memory_space<hbm>>, %arg6: memref<2x10112x128xf32, #tpu.memory_space<hbm>>, %arg7: memref<2x20x128xi32, #tpu.memory_space<vmem>>, %arg8: memref<2x20x128xi32, #tpu.memory_space<vmem>>, %arg9: memref<128x128xf32, #tpu.memory_space<vmem>>, %arg10: memref<128x128xf32, #tpu.memory_space<vmem>>, %arg11: memref<10112x128xf32, #tpu.memory_space<vmem_shared>>, %arg12: memref<!tpu.dma_semaphore, #tpu.memory_space<semaphore_mem>>, %arg13: memref<!tpu.dma_semaphore, #tpu.memory_space<semaphore_mem>>, %arg14: memref<!tpu.dma_semaphore, #tpu.memory_space<semaphore_mem>>) attributes {dimension_semantics = [#tpu.dimension_semantics<core_parallel>, #tpu.dimension_semantics<subcore_parallel>], iteration_bounds = array<i64: 2, 16>, scalar_prefetch = 0 : i64, scratch_operands = 8 : i64, tpu.core_type = #tpu.core_type<sc_vector_subcore>, window_params = [{transform_indices = #map}, {transform_indices = #map}, {transform_indices = #map1}, {transform_indices = #map1}, {transform_indices = #map2}]} {
    %mul3A = arith.constant 16 : i32
    %mul3A_0 = arith.muli %arg0, %mul3A : i32
    %add3A = arith.addi %mul3A_0, %arg1 : i32
    %mul3A_1 = arith.constant 632 : i32
    %mul3A_2 = arith.muli %arg1, %mul3A_1 : i32
    "tpu.region"() ({
      %run_scoped3A = tpu.sem_alloc : memref<!tpu.dma_semaphore, #tpu.memory_space<semaphore_mem>>
      %dma_start3A_63 = arith.constant 0 : i32
      %dma_start3A_64 = tpu.memref_slice %arg11[%mul3A_2, %dma_start3A_63] : memref<10112x128xf32, #tpu.memory_space<vmem_shared>> -> memref<632x128xf32, #tpu.memory_space<vmem_shared>>
      %dma_start3A_65 = arith.constant 0 : i32
      %dma_start3A_66 = tpu.memref_slice %arg3[%mul3A_2, %dma_start3A_65] : memref<10112x128xf32, #tpu.memory_space<hbm>> -> memref<632x128xf32, #tpu.memory_space<hbm>>
      tpu.enqueue_dma source(%dma_start3A_66 : memref<632x128xf32, #tpu.memory_space<hbm>>) target(%dma_start3A_64 : memref<632x128xf32, #tpu.memory_space<vmem_shared>>) target_semaphore(%run_scoped3A : memref<!tpu.dma_semaphore, #tpu.memory_space<semaphore_mem>>)
      %dma_wait3A = arith.constant 0 : i32
      %dma_wait3A_67 = tpu.memref_slice %arg11[%mul3A_2, %dma_wait3A] : memref<10112x128xf32, #tpu.memory_space<vmem_shared>> -> memref<632x128xf32, #tpu.memory_space<vmem_shared>>
      %dma_wait3A_68 = arith.constant 0 : i32
      %dma_wait3A_69 = tpu.memref_slice %arg3[%mul3A_2, %dma_wait3A_68] : memref<10112x128xf32, #tpu.memory_space<hbm>> -> memref<632x128xf32, #tpu.memory_space<hbm>>
      tpu.wait_dma2 semaphore(%run_scoped3A : memref<!tpu.dma_semaphore, #tpu.memory_space<semaphore_mem>>) src(%dma_wait3A_69 : memref<632x128xf32, #tpu.memory_space<hbm>>) dst(%dma_wait3A_67 : memref<632x128xf32, #tpu.memory_space<vmem_shared>>)
      tpu.yield
    }) : () -> ()
    %dma_start3A = arith.constant 0 : i32
    %dma_start3A_3 = arith.constant 0 : i32
    %dma_start3A_4 = arith.constant 0 : i32
    %dma_start3A_5 = arith.constant 0 : i32
    %dma_start3A_6 = tpu.memref_slice %arg7[%dma_start3A_3, %dma_start3A_4, %dma_start3A_5] : memref<2x20x128xi32, #tpu.memory_space<vmem>> -> memref<1x20x128xi32, #tpu.memory_space<vmem>>
    %dma_start3A_7 = tpu.memref_squeeze %dma_start3A_6 : memref<1x20x128xi32, #tpu.memory_space<vmem>> -> memref<20x128xi32, #tpu.memory_space<vmem>>
    %dma_start3A_8 = arith.constant 0 : i32
    %dma_start3A_9 = arith.constant 0 : i32
    %dma_start3A_10 = arith.constant 0 : i32
    %dma_start3A_11 = tpu.memref_slice %arg4[%add3A, %dma_start3A_8, %dma_start3A_9, %dma_start3A_10] : memref<32x4x20x128xi32, #tpu.memory_space<hbm>> -> memref<1x4x20x128xi32, #tpu.memory_space<hbm>>
    %dma_start3A_12 = tpu.memref_squeeze %dma_start3A_11 : memref<1x4x20x128xi32, #tpu.memory_space<hbm>> -> memref<4x20x128xi32, #tpu.memory_space<hbm>>
    %dma_start3A_13 = arith.constant 0 : i32
    %dma_start3A_14 = arith.constant 0 : i32
    %dma_start3A_15 = tpu.memref_slice %dma_start3A_12[%dma_start3A, %dma_start3A_13, %dma_start3A_14] : memref<4x20x128xi32, #tpu.memory_space<hbm>> -> memref<1x20x128xi32, #tpu.memory_space<hbm>>
    %dma_start3A_16 = tpu.memref_squeeze %dma_start3A_15 : memref<1x20x128xi32, #tpu.memory_space<hbm>> -> memref<20x128xi32, #tpu.memory_space<hbm>>
    %dma_start3A_17 = arith.constant 0 : i32
    %dma_start3A_18 = arith.constant 0 : i32
    %dma_start3A_19 = tpu.memref_slice %arg7[%dma_start3A_3, %dma_start3A_17, %dma_start3A_18] : memref<2x20x128xi32, #tpu.memory_space<vmem>> -> memref<1x20x128xi32, #tpu.memory_space<vmem>>
    %dma_start3A_20 = tpu.memref_squeeze %dma_start3A_19 : memref<1x20x128xi32, #tpu.memory_space<vmem>> -> memref<20x128xi32, #tpu.memory_space<vmem>>
    %dma_start3A_21 = arith.constant 0 : i32
    %dma_start3A_22 = arith.constant 0 : i32
    %dma_start3A_23 = arith.constant 0 : i32
    %dma_start3A_24 = tpu.memref_slice %arg4[%add3A, %dma_start3A_21, %dma_start3A_22, %dma_start3A_23] : memref<32x4x20x128xi32, #tpu.memory_space<hbm>> -> memref<1x4x20x128xi32, #tpu.memory_space<hbm>>
    %dma_start3A_25 = tpu.memref_squeeze %dma_start3A_24 : memref<1x4x20x128xi32, #tpu.memory_space<hbm>> -> memref<4x20x128xi32, #tpu.memory_space<hbm>>
    %dma_start3A_26 = arith.constant 0 : i32
    %dma_start3A_27 = arith.constant 0 : i32
    %dma_start3A_28 = tpu.memref_slice %dma_start3A_25[%dma_start3A, %dma_start3A_26, %dma_start3A_27] : memref<4x20x128xi32, #tpu.memory_space<hbm>> -> memref<1x20x128xi32, #tpu.memory_space<hbm>>
    %dma_start3A_29 = tpu.memref_squeeze %dma_start3A_28 : memref<1x20x128xi32, #tpu.memory_space<hbm>> -> memref<20x128xi32, #tpu.memory_space<hbm>>
    tpu.enqueue_dma source(%dma_start3A_29 : memref<20x128xi32, #tpu.memory_space<hbm>>) target(%dma_start3A_20 : memref<20x128xi32, #tpu.memory_space<vmem>>) target_semaphore(%arg14 : memref<!tpu.dma_semaphore, #tpu.memory_space<semaphore_mem>>)
    %dma_start3A_30 = arith.constant 0 : i32
    %dma_start3A_31 = arith.constant 0 : i32
    %dma_start3A_32 = arith.constant 0 : i32
    %dma_start3A_33 = arith.constant 0 : i32
    %dma_start3A_34 = tpu.memref_slice %arg8[%dma_start3A_31, %dma_start3A_32, %dma_start3A_33] : memref<2x20x128xi32, #tpu.memory_space<vmem>> -> memref<1x20x128xi32, #tpu.memory_space<vmem>>
    %dma_start3A_35 = tpu.memref_squeeze %dma_start3A_34 : memref<1x20x128xi32, #tpu.memory_space<vmem>> -> memref<20x128xi32, #tpu.memory_space<vmem>>
    %dma_start3A_36 = arith.constant 0 : i32
    %dma_start3A_37 = arith.constant 0 : i32
    %dma_start3A_38 = arith.constant 0 : i32
    %dma_start3A_39 = tpu.memref_slice %arg5[%add3A, %dma_start3A_36, %dma_start3A_37, %dma_start3A_38] : memref<32x4x20x128xi32, #tpu.memory_space<hbm>> -> memref<1x4x20x128xi32, #tpu.memory_space<hbm>>
    %dma_start3A_40 = tpu.memref_squeeze %dma_start3A_39 : memref<1x4x20x128xi32, #tpu.memory_space<hbm>> -> memref<4x20x128xi32, #tpu.memory_space<hbm>>
    %dma_start3A_41 = arith.constant 0 : i32
    %dma_start3A_42 = arith.constant 0 : i32
    %dma_start3A_43 = tpu.memref_slice %dma_start3A_40[%dma_start3A_30, %dma_start3A_41, %dma_start3A_42] : memref<4x20x128xi32, #tpu.memory_space<hbm>> -> memref<1x20x128xi32, #tpu.memory_space<hbm>>
    %dma_start3A_44 = tpu.memref_squeeze %dma_start3A_43 : memref<1x20x128xi32, #tpu.memory_space<hbm>> -> memref<20x128xi32, #tpu.memory_space<hbm>>
    %dma_start3A_45 = arith.constant 0 : i32
    %dma_start3A_46 = arith.constant 0 : i32
    %dma_start3A_47 = tpu.memref_slice %arg8[%dma_start3A_31, %dma_start3A_45, %dma_start3A_46] : memref<2x20x128xi32, #tpu.memory_space<vmem>> -> memref<1x20x128xi32, #tpu.memory_space<vmem>>
    %dma_start3A_48 = tpu.memref_squeeze %dma_start3A_47 : memref<1x20x128xi32, #tpu.memory_space<vmem>> -> memref<20x128xi32, #tpu.memory_space<vmem>>
    %dma_start3A_49 = arith.constant 0 : i32
    %dma_start3A_50 = arith.constant 0 : i32
    %dma_start3A_51 = arith.constant 0 : i32
    %dma_start3A_52 = tpu.memref_slice %arg5[%add3A, %dma_start3A_49, %dma_start3A_50, %dma_start3A_51] : memref<32x4x20x128xi32, #tpu.memory_space<hbm>> -> memref<1x4x20x128xi32, #tpu.memory_space<hbm>>
    %dma_start3A_53 = tpu.memref_squeeze %dma_start3A_52 : memref<1x4x20x128xi32, #tpu.memory_space<hbm>> -> memref<4x20x128xi32, #tpu.memory_space<hbm>>
    %dma_start3A_54 = arith.constant 0 : i32
    %dma_start3A_55 = arith.constant 0 : i32
    %dma_start3A_56 = tpu.memref_slice %dma_start3A_53[%dma_start3A_30, %dma_start3A_54, %dma_start3A_55] : memref<4x20x128xi32, #tpu.memory_space<hbm>> -> memref<1x20x128xi32, #tpu.memory_space<hbm>>
    %dma_start3A_57 = tpu.memref_squeeze %dma_start3A_56 : memref<1x20x128xi32, #tpu.memory_space<hbm>> -> memref<20x128xi32, #tpu.memory_space<hbm>>
    tpu.enqueue_dma source(%dma_start3A_57 : memref<20x128xi32, #tpu.memory_space<hbm>>) target(%dma_start3A_48 : memref<20x128xi32, #tpu.memory_space<vmem>>) target_semaphore(%arg14 : memref<!tpu.dma_semaphore, #tpu.memory_space<semaphore_mem>>)
    %barrier3A = arith.constant 0 : index
    tpu.barrier barrier_id(%barrier3A)
    %scan3A = arith.constant 0 : i32
    %scan3A_58 = arith.constant 2 : i32
    %scan3A_59 = arith.addi %scan3A, %scan3A_58 : i32
    %scan3A_60 = arith.constant 1 : i32
    scf.for %scan3A_63 = %scan3A to %scan3A_59 step %scan3A_60  : i32 {
      %mul3A_64 = arith.constant 1 : i32
      %mul3A_65 = arith.muli %scan3A_63, %mul3A_64 : i32
      %add3A_66 = arith.constant 0 : i32
      %add3A_67 = arith.addi %add3A_66, %mul3A_65 : i32
      %mul3A_68 = arith.constant 2 : i32
      %mul3A_69 = arith.muli %mul3A_68, %add3A_67 : i32
      %dma_wait3A = arith.constant 0 : i32
      %dma_wait3A_70 = arith.constant 0 : i32
      %dma_wait3A_71 = arith.constant 0 : i32
      %dma_wait3A_72 = arith.constant 0 : i32
      %dma_wait3A_73 = arith.constant 0 : i32
      %dma_wait3A_74 = tpu.memref_slice %arg7[%dma_wait3A_71, %dma_wait3A_72, %dma_wait3A_73] : memref<2x20x128xi32, #tpu.memory_space<vmem>> -> memref<1x20x128xi32, #tpu.memory_space<vmem>>
      %dma_wait3A_75 = tpu.memref_squeeze %dma_wait3A_74 : memref<1x20x128xi32, #tpu.memory_space<vmem>> -> memref<20x128xi32, #tpu.memory_space<vmem>>
      %dma_wait3A_76 = arith.constant 0 : i32
      %dma_wait3A_77 = arith.constant 0 : i32
      %dma_wait3A_78 = arith.constant 0 : i32
      %dma_wait3A_79 = tpu.memref_slice %arg4[%dma_wait3A, %dma_wait3A_76, %dma_wait3A_77, %dma_wait3A_78] : memref<32x4x20x128xi32, #tpu.memory_space<hbm>> -> memref<1x4x20x128xi32, #tpu.memory_space<hbm>>
      %dma_wait3A_80 = tpu.memref_squeeze %dma_wait3A_79 : memref<1x4x20x128xi32, #tpu.memory_space<hbm>> -> memref<4x20x128xi32, #tpu.memory_space<hbm>>
      %dma_wait3A_81 = arith.constant 0 : i32
      %dma_wait3A_82 = arith.constant 0 : i32
      %dma_wait3A_83 = tpu.memref_slice %dma_wait3A_80[%dma_wait3A_70, %dma_wait3A_81, %dma_wait3A_82] : memref<4x20x128xi32, #tpu.memory_space<hbm>> -> memref<1x20x128xi32, #tpu.memory_space<hbm>>
      %dma_wait3A_84 = tpu.memref_squeeze %dma_wait3A_83 : memref<1x20x128xi32, #tpu.memory_space<hbm>> -> memref<20x128xi32, #tpu.memory_space<hbm>>
      %dma_wait3A_85 = arith.constant 0 : i32
      %dma_wait3A_86 = arith.constant 0 : i32
      %dma_wait3A_87 = tpu.memref_slice %arg7[%dma_wait3A_71, %dma_wait3A_85, %dma_wait3A_86] : memref<2x20x128xi32, #tpu.memory_space<vmem>> -> memref<1x20x128xi32, #tpu.memory_space<vmem>>
      %dma_wait3A_88 = tpu.memref_squeeze %dma_wait3A_87 : memref<1x20x128xi32, #tpu.memory_space<vmem>> -> memref<20x128xi32, #tpu.memory_space<vmem>>
      %dma_wait3A_89 = arith.constant 0 : i32
      %dma_wait3A_90 = arith.constant 0 : i32
      %dma_wait3A_91 = arith.constant 0 : i32
      %dma_wait3A_92 = tpu.memref_slice %arg4[%dma_wait3A, %dma_wait3A_89, %dma_wait3A_90, %dma_wait3A_91] : memref<32x4x20x128xi32, #tpu.memory_space<hbm>> -> memref<1x4x20x128xi32, #tpu.memory_space<hbm>>
      %dma_wait3A_93 = tpu.memref_squeeze %dma_wait3A_92 : memref<1x4x20x128xi32, #tpu.memory_space<hbm>> -> memref<4x20x128xi32, #tpu.memory_space<hbm>>
      %dma_wait3A_94 = arith.constant 0 : i32
      %dma_wait3A_95 = arith.constant 0 : i32
      %dma_wait3A_96 = tpu.memref_slice %dma_wait3A_93[%dma_wait3A_70, %dma_wait3A_94, %dma_wait3A_95] : memref<4x20x128xi32, #tpu.memory_space<hbm>> -> memref<1x20x128xi32, #tpu.memory_space<hbm>>
      %dma_wait3A_97 = tpu.memref_squeeze %dma_wait3A_96 : memref<1x20x128xi32, #tpu.memory_space<hbm>> -> memref<20x128xi32, #tpu.memory_space<hbm>>
      tpu.wait_dma2 semaphore(%arg14 : memref<!tpu.dma_semaphore, #tpu.memory_space<semaphore_mem>>) src(%dma_wait3A_97 : memref<20x128xi32, #tpu.memory_space<hbm>>) dst(%dma_wait3A_88 : memref<20x128xi32, #tpu.memory_space<vmem>>)
      %dma_wait3A_98 = arith.constant 0 : i32
      %dma_wait3A_99 = arith.constant 0 : i32
      %dma_wait3A_100 = arith.constant 0 : i32
      %dma_wait3A_101 = arith.constant 0 : i32
      %dma_wait3A_102 = arith.constant 0 : i32
      %dma_wait3A_103 = tpu.memref_slice %arg8[%dma_wait3A_100, %dma_wait3A_101, %dma_wait3A_102] : memref<2x20x128xi32, #tpu.memory_space<vmem>> -> memref<1x20x128xi32, #tpu.memory_space<vmem>>
      %dma_wait3A_104 = tpu.memref_squeeze %dma_wait3A_103 : memref<1x20x128xi32, #tpu.memory_space<vmem>> -> memref<20x128xi32, #tpu.memory_space<vmem>>
      %dma_wait3A_105 = arith.constant 0 : i32
      %dma_wait3A_106 = arith.constant 0 : i32
      %dma_wait3A_107 = arith.constant 0 : i32
      %dma_wait3A_108 = tpu.memref_slice %arg5[%dma_wait3A_98, %dma_wait3A_105, %dma_wait3A_106, %dma_wait3A_107] : memref<32x4x20x128xi32, #tpu.memory_space<hbm>> -> memref<1x4x20x128xi32, #tpu.memory_space<hbm>>
      %dma_wait3A_109 = tpu.memref_squeeze %dma_wait3A_108 : memref<1x4x20x128xi32, #tpu.memory_space<hbm>> -> memref<4x20x128xi32, #tpu.memory_space<hbm>>
      %dma_wait3A_110 = arith.constant 0 : i32
      %dma_wait3A_111 = arith.constant 0 : i32
      %dma_wait3A_112 = tpu.memref_slice %dma_wait3A_109[%dma_wait3A_99, %dma_wait3A_110, %dma_wait3A_111] : memref<4x20x128xi32, #tpu.memory_space<hbm>> -> memref<1x20x128xi32, #tpu.memory_space<hbm>>
      %dma_wait3A_113 = tpu.memref_squeeze %dma_wait3A_112 : memref<1x20x128xi32, #tpu.memory_space<hbm>> -> memref<20x128xi32, #tpu.memory_space<hbm>>
      %dma_wait3A_114 = arith.constant 0 : i32
      %dma_wait3A_115 = arith.constant 0 : i32
      %dma_wait3A_116 = tpu.memref_slice %arg8[%dma_wait3A_100, %dma_wait3A_114, %dma_wait3A_115] : memref<2x20x128xi32, #tpu.memory_space<vmem>> -> memref<1x20x128xi32, #tpu.memory_space<vmem>>
      %dma_wait3A_117 = tpu.memref_squeeze %dma_wait3A_116 : memref<1x20x128xi32, #tpu.memory_space<vmem>> -> memref<20x128xi32, #tpu.memory_space<vmem>>
      %dma_wait3A_118 = arith.constant 0 : i32
      %dma_wait3A_119 = arith.constant 0 : i32
      %dma_wait3A_120 = arith.constant 0 : i32
      %dma_wait3A_121 = tpu.memref_slice %arg5[%dma_wait3A_98, %dma_wait3A_118, %dma_wait3A_119, %dma_wait3A_120] : memref<32x4x20x128xi32, #tpu.memory_space<hbm>> -> memref<1x4x20x128xi32, #tpu.memory_space<hbm>>
      %dma_wait3A_122 = tpu.memref_squeeze %dma_wait3A_121 : memref<1x4x20x128xi32, #tpu.memory_space<hbm>> -> memref<4x20x128xi32, #tpu.memory_space<hbm>>
      %dma_wait3A_123 = arith.constant 0 : i32
      %dma_wait3A_124 = arith.constant 0 : i32
      %dma_wait3A_125 = tpu.memref_slice %dma_wait3A_122[%dma_wait3A_99, %dma_wait3A_123, %dma_wait3A_124] : memref<4x20x128xi32, #tpu.memory_space<hbm>> -> memref<1x20x128xi32, #tpu.memory_space<hbm>>
      %dma_wait3A_126 = tpu.memref_squeeze %dma_wait3A_125 : memref<1x20x128xi32, #tpu.memory_space<hbm>> -> memref<20x128xi32, #tpu.memory_space<hbm>>
      tpu.wait_dma2 semaphore(%arg14 : memref<!tpu.dma_semaphore, #tpu.memory_space<semaphore_mem>>) src(%dma_wait3A_126 : memref<20x128xi32, #tpu.memory_space<hbm>>) dst(%dma_wait3A_117 : memref<20x128xi32, #tpu.memory_space<vmem>>)
      %add3A_127 = arith.constant 1 : i32
      %add3A_128 = arith.addi %mul3A_69, %add3A_127 : i32
      %lt3A = arith.constant 4 : i32
      %lt3A_129 = arith.cmpi slt, %add3A_128, %lt3A : i32
      %convert_element_type3A = arith.extui %lt3A_129 : i1 to i32
      %cond3A = arith.constant 0 : i32
      %cond3A_130 = arith.cmpi ne, %convert_element_type3A, %cond3A : i32
      scf.if %cond3A_130 {
        %add3A_262 = arith.constant 1 : i32
        %add3A_263 = arith.addi %mul3A_69, %add3A_262 : i32
        %dma_start3A_264 = arith.constant 1 : i32
        %dma_start3A_265 = arith.constant 0 : i32
        %dma_start3A_266 = arith.constant 0 : i32
        %dma_start3A_267 = tpu.memref_slice %arg7[%dma_start3A_264, %dma_start3A_265, %dma_start3A_266] : memref<2x20x128xi32, #tpu.memory_space<vmem>> -> memref<1x20x128xi32, #tpu.memory_space<vmem>>
        %dma_start3A_268 = tpu.memref_squeeze %dma_start3A_267 : memref<1x20x128xi32, #tpu.memory_space<vmem>> -> memref<20x128xi32, #tpu.memory_space<vmem>>
        %dma_start3A_269 = arith.constant 0 : i32
        %dma_start3A_270 = arith.constant 0 : i32
        %dma_start3A_271 = arith.constant 0 : i32
        %dma_start3A_272 = tpu.memref_slice %arg4[%add3A, %dma_start3A_269, %dma_start3A_270, %dma_start3A_271] : memref<32x4x20x128xi32, #tpu.memory_space<hbm>> -> memref<1x4x20x128xi32, #tpu.memory_space<hbm>>
        %dma_start3A_273 = tpu.memref_squeeze %dma_start3A_272 : memref<1x4x20x128xi32, #tpu.memory_space<hbm>> -> memref<4x20x128xi32, #tpu.memory_space<hbm>>
        %dma_start3A_274 = arith.constant 0 : i32
        %dma_start3A_275 = arith.constant 0 : i32
        %dma_start3A_276 = tpu.memref_slice %dma_start3A_273[%add3A_263, %dma_start3A_274, %dma_start3A_275] : memref<4x20x128xi32, #tpu.memory_space<hbm>> -> memref<1x20x128xi32, #tpu.memory_space<hbm>>
        %dma_start3A_277 = tpu.memref_squeeze %dma_start3A_276 : memref<1x20x128xi32, #tpu.memory_space<hbm>> -> memref<20x128xi32, #tpu.memory_space<hbm>>
        %dma_start3A_278 = arith.constant 0 : i32
        %dma_start3A_279 = arith.constant 0 : i32
        %dma_start3A_280 = tpu.memref_slice %arg7[%dma_start3A_264, %dma_start3A_278, %dma_start3A_279] : memref<2x20x128xi32, #tpu.memory_space<vmem>> -> memref<1x20x128xi32, #tpu.memory_space<vmem>>
        %dma_start3A_281 = tpu.memref_squeeze %dma_start3A_280 : memref<1x20x128xi32, #tpu.memory_space<vmem>> -> memref<20x128xi32, #tpu.memory_space<vmem>>
        %dma_start3A_282 = arith.constant 0 : i32
        %dma_start3A_283 = arith.constant 0 : i32
        %dma_start3A_284 = arith.constant 0 : i32
        %dma_start3A_285 = tpu.memref_slice %arg4[%add3A, %dma_start3A_282, %dma_start3A_283, %dma_start3A_284] : memref<32x4x20x128xi32, #tpu.memory_space<hbm>> -> memref<1x4x20x128xi32, #tpu.memory_space<hbm>>
        %dma_start3A_286 = tpu.memref_squeeze %dma_start3A_285 : memref<1x4x20x128xi32, #tpu.memory_space<hbm>> -> memref<4x20x128xi32, #tpu.memory_space<hbm>>
        %dma_start3A_287 = arith.constant 0 : i32
        %dma_start3A_288 = arith.constant 0 : i32
        %dma_start3A_289 = tpu.memref_slice %dma_start3A_286[%add3A_263, %dma_start3A_287, %dma_start3A_288] : memref<4x20x128xi32, #tpu.memory_space<hbm>> -> memref<1x20x128xi32, #tpu.memory_space<hbm>>
        %dma_start3A_290 = tpu.memref_squeeze %dma_start3A_289 : memref<1x20x128xi32, #tpu.memory_space<hbm>> -> memref<20x128xi32, #tpu.memory_space<hbm>>
        tpu.enqueue_dma source(%dma_start3A_290 : memref<20x128xi32, #tpu.memory_space<hbm>>) target(%dma_start3A_281 : memref<20x128xi32, #tpu.memory_space<vmem>>) target_semaphore(%arg14 : memref<!tpu.dma_semaphore, #tpu.memory_space<semaphore_mem>>)
        %add3A_291 = arith.constant 1 : i32
        %add3A_292 = arith.addi %mul3A_69, %add3A_291 : i32
        %dma_start3A_293 = arith.constant 1 : i32
        %dma_start3A_294 = arith.constant 0 : i32
        %dma_start3A_295 = arith.constant 0 : i32
        %dma_start3A_296 = tpu.memref_slice %arg8[%dma_start3A_293, %dma_start3A_294, %dma_start3A_295] : memref<2x20x128xi32, #tpu.memory_space<vmem>> -> memref<1x20x128xi32, #tpu.memory_space<vmem>>
        %dma_start3A_297 = tpu.memref_squeeze %dma_start3A_296 : memref<1x20x128xi32, #tpu.memory_space<vmem>> -> memref<20x128xi32, #tpu.memory_space<vmem>>
        %dma_start3A_298 = arith.constant 0 : i32
        %dma_start3A_299 = arith.constant 0 : i32
        %dma_start3A_300 = arith.constant 0 : i32
        %dma_start3A_301 = tpu.memref_slice %arg5[%add3A, %dma_start3A_298, %dma_start3A_299, %dma_start3A_300] : memref<32x4x20x128xi32, #tpu.memory_space<hbm>> -> memref<1x4x20x128xi32, #tpu.memory_space<hbm>>
        %dma_start3A_302 = tpu.memref_squeeze %dma_start3A_301 : memref<1x4x20x128xi32, #tpu.memory_space<hbm>> -> memref<4x20x128xi32, #tpu.memory_space<hbm>>
        %dma_start3A_303 = arith.constant 0 : i32
        %dma_start3A_304 = arith.constant 0 : i32
        %dma_start3A_305 = tpu.memref_slice %dma_start3A_302[%add3A_292, %dma_start3A_303, %dma_start3A_304] : memref<4x20x128xi32, #tpu.memory_space<hbm>> -> memref<1x20x128xi32, #tpu.memory_space<hbm>>
        %dma_start3A_306 = tpu.memref_squeeze %dma_start3A_305 : memref<1x20x128xi32, #tpu.memory_space<hbm>> -> memref<20x128xi32, #tpu.memory_space<hbm>>
        %dma_start3A_307 = arith.constant 0 : i32
        %dma_start3A_308 = arith.constant 0 : i32
        %dma_start3A_309 = tpu.memref_slice %arg8[%dma_start3A_293, %dma_start3A_307, %dma_start3A_308] : memref<2x20x128xi32, #tpu.memory_space<vmem>> -> memref<1x20x128xi32, #tpu.memory_space<vmem>>
        %dma_start3A_310 = tpu.memref_squeeze %dma_start3A_309 : memref<1x20x128xi32, #tpu.memory_space<vmem>> -> memref<20x128xi32, #tpu.memory_space<vmem>>
        %dma_start3A_311 = arith.constant 0 : i32
        %dma_start3A_312 = arith.constant 0 : i32
        %dma_start3A_313 = arith.constant 0 : i32
        %dma_start3A_314 = tpu.memref_slice %arg5[%add3A, %dma_start3A_311, %dma_start3A_312, %dma_start3A_313] : memref<32x4x20x128xi32, #tpu.memory_space<hbm>> -> memref<1x4x20x128xi32, #tpu.memory_space<hbm>>
        %dma_start3A_315 = tpu.memref_squeeze %dma_start3A_314 : memref<1x4x20x128xi32, #tpu.memory_space<hbm>> -> memref<4x20x128xi32, #tpu.memory_space<hbm>>
        %dma_start3A_316 = arith.constant 0 : i32
        %dma_start3A_317 = arith.constant 0 : i32
        %dma_start3A_318 = tpu.memref_slice %dma_start3A_315[%add3A_292, %dma_start3A_316, %dma_start3A_317] : memref<4x20x128xi32, #tpu.memory_space<hbm>> -> memref<1x20x128xi32, #tpu.memory_space<hbm>>
        %dma_start3A_319 = tpu.memref_squeeze %dma_start3A_318 : memref<1x20x128xi32, #tpu.memory_space<hbm>> -> memref<20x128xi32, #tpu.memory_space<hbm>>
        tpu.enqueue_dma source(%dma_start3A_319 : memref<20x128xi32, #tpu.memory_space<hbm>>) target(%dma_start3A_310 : memref<20x128xi32, #tpu.memory_space<vmem>>) target_semaphore(%arg14 : memref<!tpu.dma_semaphore, #tpu.memory_space<semaphore_mem>>)
      } else {
      }
      %dma_start3A_131 = arith.constant 0 : i32
      %dma_start3A_132 = arith.constant 0 : i32
      %dma_start3A_133 = arith.constant 0 : i32
      %dma_start3A_134 = arith.constant 0 : i32
      %dma_start3A_135 = tpu.memref_slice %arg7[%dma_start3A_131, %dma_start3A_133, %dma_start3A_134] : memref<2x20x128xi32, #tpu.memory_space<vmem>> -> memref<1x20x128xi32, #tpu.memory_space<vmem>>
      %dma_start3A_136 = tpu.memref_squeeze %dma_start3A_135 : memref<1x20x128xi32, #tpu.memory_space<vmem>> -> memref<20x128xi32, #tpu.memory_space<vmem>>
      %dma_start3A_137 = arith.constant 0 : i32
      %dma_start3A_138 = tpu.memref_slice %dma_start3A_136[%dma_start3A_132, %dma_start3A_137] : memref<20x128xi32, #tpu.memory_space<vmem>> -> memref<1x128xi32, #tpu.memory_space<vmem>>
      %dma_start3A_139 = tpu.memref_squeeze %dma_start3A_138 : memref<1x128xi32, #tpu.memory_space<vmem>> -> memref<128xi32, #tpu.memory_space<vmem>>
      %dma_start3A_140 = arith.constant 0 : i32
      %dma_start3A_141 = arith.constant 0 : i32
      %dma_start3A_142 = tpu.memref_slice %arg2[%dma_start3A_140, %dma_start3A_141] : memref<10000x128xf32, #tpu.memory_space<hbm>> -> memref<10000x128xf32, #tpu.memory_space<hbm>>
      tpu.enqueue_indirect_dma source(%dma_start3A_142 : memref<10000x128xf32, #tpu.memory_space<hbm>>) target(%arg9 : memref<128x128xf32, #tpu.memory_space<vmem>>) offsets(%dma_start3A_139 : memref<128xi32, #tpu.memory_space<vmem>>) semaphore(%arg12 : memref<!tpu.dma_semaphore, #tpu.memory_space<semaphore_mem>>)
      %dma_start3A_143 = arith.constant 0 : i32
      %dma_start3A_144 = arith.constant 1 : i32
      %dma_start3A_145 = arith.constant 0 : i32
      %dma_start3A_146 = arith.constant 0 : i32
      %dma_start3A_147 = tpu.memref_slice %arg7[%dma_start3A_143, %dma_start3A_145, %dma_start3A_146] : memref<2x20x128xi32, #tpu.memory_space<vmem>> -> memref<1x20x128xi32, #tpu.memory_space<vmem>>
      %dma_start3A_148 = tpu.memref_squeeze %dma_start3A_147 : memref<1x20x128xi32, #tpu.memory_space<vmem>> -> memref<20x128xi32, #tpu.memory_space<vmem>>
      %dma_start3A_149 = arith.constant 0 : i32
      %dma_start3A_150 = tpu.memref_slice %dma_start3A_148[%dma_start3A_144, %dma_start3A_149] : memref<20x128xi32, #tpu.memory_space<vmem>> -> memref<1x128xi32, #tpu.memory_space<vmem>>
      %dma_start3A_151 = tpu.memref_squeeze %dma_start3A_150 : memref<1x128xi32, #tpu.memory_space<vmem>> -> memref<128xi32, #tpu.memory_space<vmem>>
      %dma_start3A_152 = arith.constant 0 : i32
      %dma_start3A_153 = arith.constant 0 : i32
      %dma_start3A_154 = tpu.memref_slice %arg2[%dma_start3A_152, %dma_start3A_153] : memref<10000x128xf32, #tpu.memory_space<hbm>> -> memref<10000x128xf32, #tpu.memory_space<hbm>>
      tpu.enqueue_indirect_dma source(%dma_start3A_154 : memref<10000x128xf32, #tpu.memory_space<hbm>>) target(%arg10 : memref<128x128xf32, #tpu.memory_space<vmem>>) offsets(%dma_start3A_151 : memref<128xi32, #tpu.memory_space<vmem>>) semaphore(%arg13 : memref<!tpu.dma_semaphore, #tpu.memory_space<semaphore_mem>>)
      %scan3A_155 = arith.constant 0 : i32
      %scan3A_156 = arith.constant 0 : i32
      %scan3A_157 = arith.constant 0 : i32
      %scan3A_158 = arith.constant 10 : i32
      %scan3A_159 = arith.addi %scan3A_157, %scan3A_158 : i32
      %scan3A_160 = arith.constant 1 : i32
      scf.for %scan3A_262 = %scan3A_157 to %scan3A_159 step %scan3A_160  : i32 {
        %mul3A_263 = arith.constant 1 : i32
        %mul3A_264 = arith.muli %scan3A_262, %mul3A_263 : i32
        %add3A_265 = arith.constant 0 : i32
        %add3A_266 = arith.addi %add3A_265, %mul3A_264 : i32
        %mul3A_267 = arith.constant 2 : i32
        %mul3A_268 = arith.muli %mul3A_267, %add3A_266 : i32
        %dma_wait3A_269 = arith.constant 0 : i32
        %dma_wait3A_270 = arith.constant 0 : i32
        %dma_wait3A_271 = arith.constant 0 : i32
        %dma_wait3A_272 = arith.constant 0 : i32
        %dma_wait3A_273 = tpu.memref_slice %arg7[%dma_wait3A_269, %dma_wait3A_271, %dma_wait3A_272] : memref<2x20x128xi32, #tpu.memory_space<vmem>> -> memref<1x20x128xi32, #tpu.memory_space<vmem>>
        %dma_wait3A_274 = tpu.memref_squeeze %dma_wait3A_273 : memref<1x20x128xi32, #tpu.memory_space<vmem>> -> memref<20x128xi32, #tpu.memory_space<vmem>>
        %dma_wait3A_275 = arith.constant 0 : i32
        %dma_wait3A_276 = tpu.memref_slice %dma_wait3A_274[%dma_wait3A_270, %dma_wait3A_275] : memref<20x128xi32, #tpu.memory_space<vmem>> -> memref<1x128xi32, #tpu.memory_space<vmem>>
        %dma_wait3A_277 = tpu.memref_squeeze %dma_wait3A_276 : memref<1x128xi32, #tpu.memory_space<vmem>> -> memref<128xi32, #tpu.memory_space<vmem>>
        %dma_wait3A_278 = arith.constant 0 : i32
        %dma_wait3A_279 = arith.constant 0 : i32
        %dma_wait3A_280 = tpu.memref_slice %arg2[%dma_wait3A_278, %dma_wait3A_279] : memref<10000x128xf32, #tpu.memory_space<hbm>> -> memref<10000x128xf32, #tpu.memory_space<hbm>>
        tpu.wait_indirect_dma semaphore(%arg12 : memref<!tpu.dma_semaphore, #tpu.memory_space<semaphore_mem>>) src(%dma_wait3A_280 : memref<10000x128xf32, #tpu.memory_space<hbm>>) dst(%arg9 : memref<128x128xf32, #tpu.memory_space<vmem>>)
        "tpu.region"() ({
          %run_scoped3A = tpu.sem_alloc : memref<!tpu.dma_semaphore, #tpu.memory_space<semaphore_mem>>
          %dma_start3A_309 = arith.constant 0 : i32
          %dma_start3A_310 = arith.constant 0 : i32
          %dma_start3A_311 = tpu.memref_slice %arg8[%scan3A_155, %dma_start3A_309, %dma_start3A_310] : memref<2x20x128xi32, #tpu.memory_space<vmem>> -> memref<1x20x128xi32, #tpu.memory_space<vmem>>
          %dma_start3A_312 = tpu.memref_squeeze %dma_start3A_311 : memref<1x20x128xi32, #tpu.memory_space<vmem>> -> memref<20x128xi32, #tpu.memory_space<vmem>>
          %dma_start3A_313 = arith.constant 0 : i32
          %dma_start3A_314 = tpu.memref_slice %dma_start3A_312[%mul3A_268, %dma_start3A_313] : memref<20x128xi32, #tpu.memory_space<vmem>> -> memref<1x128xi32, #tpu.memory_space<vmem>>
          %dma_start3A_315 = tpu.memref_squeeze %dma_start3A_314 : memref<1x128xi32, #tpu.memory_space<vmem>> -> memref<128xi32, #tpu.memory_space<vmem>>
          %dma_start3A_316 = arith.constant 0 : i32
          %dma_start3A_317 = arith.constant 0 : i32
          %dma_start3A_318 = tpu.memref_slice %arg11[%dma_start3A_316, %dma_start3A_317] : memref<10112x128xf32, #tpu.memory_space<vmem_shared>> -> memref<10112x128xf32, #tpu.memory_space<vmem_shared>>
          tpu.enqueue_indirect_dma source(%arg9 : memref<128x128xf32, #tpu.memory_space<vmem>>) target(%dma_start3A_318 : memref<10112x128xf32, #tpu.memory_space<vmem_shared>>) offsets(%dma_start3A_315 : memref<128xi32, #tpu.memory_space<vmem>>) semaphore(%run_scoped3A : memref<!tpu.dma_semaphore, #tpu.memory_space<semaphore_mem>>) {add = true}
          %dma_wait3A_319 = arith.constant 0 : i32
          %dma_wait3A_320 = arith.constant 0 : i32
          %dma_wait3A_321 = tpu.memref_slice %arg8[%scan3A_155, %dma_wait3A_319, %dma_wait3A_320] : memref<2x20x128xi32, #tpu.memory_space<vmem>> -> memref<1x20x128xi32, #tpu.memory_space<vmem>>
          %dma_wait3A_322 = tpu.memref_squeeze %dma_wait3A_321 : memref<1x20x128xi32, #tpu.memory_space<vmem>> -> memref<20x128xi32, #tpu.memory_space<vmem>>
          %dma_wait3A_323 = arith.constant 0 : i32
          %dma_wait3A_324 = tpu.memref_slice %dma_wait3A_322[%mul3A_268, %dma_wait3A_323] : memref<20x128xi32, #tpu.memory_space<vmem>> -> memref<1x128xi32, #tpu.memory_space<vmem>>
          %dma_wait3A_325 = tpu.memref_squeeze %dma_wait3A_324 : memref<1x128xi32, #tpu.memory_space<vmem>> -> memref<128xi32, #tpu.memory_space<vmem>>
          %dma_wait3A_326 = arith.constant 0 : i32
          %dma_wait3A_327 = arith.constant 0 : i32
          %dma_wait3A_328 = tpu.memref_slice %arg11[%dma_wait3A_326, %dma_wait3A_327] : memref<10112x128xf32, #tpu.memory_space<vmem_shared>> -> memref<10112x128xf32, #tpu.memory_space<vmem_shared>>
          tpu.wait_indirect_dma semaphore(%run_scoped3A : memref<!tpu.dma_semaphore, #tpu.memory_space<semaphore_mem>>) src(%arg9 : memref<128x128xf32, #tpu.memory_space<vmem>>) dst(%dma_wait3A_328 : memref<10112x128xf32, #tpu.memory_space<vmem_shared>>)
          tpu.yield
        }) : () -> ()
        %add3A_281 = arith.constant 2 : i32
        %add3A_282 = arith.addi %mul3A_268, %add3A_281 : i32
        %lt3A_283 = arith.constant 20 : i32
        %lt3A_284 = arith.cmpi slt, %add3A_282, %lt3A_283 : i32
        %convert_element_type3A_285 = arith.extui %lt3A_284 : i1 to i32
        %cond3A_286 = arith.constant 0 : i32
        %cond3A_287 = arith.cmpi ne, %convert_element_type3A_285, %cond3A_286 : i32
        scf.if %cond3A_287 {
          %add3A_309 = arith.constant 2 : i32
          %add3A_310 = arith.addi %mul3A_268, %add3A_309 : i32
          %dma_start3A_311 = arith.constant 0 : i32
          %dma_start3A_312 = arith.constant 0 : i32
          %dma_start3A_313 = tpu.memref_slice %arg7[%scan3A_156, %dma_start3A_311, %dma_start3A_312] : memref<2x20x128xi32, #tpu.memory_space<vmem>> -> memref<1x20x128xi32, #tpu.memory_space<vmem>>
          %dma_start3A_314 = tpu.memref_squeeze %dma_start3A_313 : memref<1x20x128xi32, #tpu.memory_space<vmem>> -> memref<20x128xi32, #tpu.memory_space<vmem>>
          %dma_start3A_315 = arith.constant 0 : i32
          %dma_start3A_316 = tpu.memref_slice %dma_start3A_314[%add3A_310, %dma_start3A_315] : memref<20x128xi32, #tpu.memory_space<vmem>> -> memref<1x128xi32, #tpu.memory_space<vmem>>
          %dma_start3A_317 = tpu.memref_squeeze %dma_start3A_316 : memref<1x128xi32, #tpu.memory_space<vmem>> -> memref<128xi32, #tpu.memory_space<vmem>>
          %dma_start3A_318 = arith.constant 0 : i32
          %dma_start3A_319 = arith.constant 0 : i32
          %dma_start3A_320 = tpu.memref_slice %arg2[%dma_start3A_318, %dma_start3A_319] : memref<10000x128xf32, #tpu.memory_space<hbm>> -> memref<10000x128xf32, #tpu.memory_space<hbm>>
          tpu.enqueue_indirect_dma source(%dma_start3A_320 : memref<10000x128xf32, #tpu.memory_space<hbm>>) target(%arg9 : memref<128x128xf32, #tpu.memory_space<vmem>>) offsets(%dma_start3A_317 : memref<128xi32, #tpu.memory_space<vmem>>) semaphore(%arg12 : memref<!tpu.dma_semaphore, #tpu.memory_space<semaphore_mem>>)
        } else {
        }
        %dma_wait3A_288 = arith.constant 0 : i32
        %dma_wait3A_289 = arith.constant 0 : i32
        %dma_wait3A_290 = arith.constant 0 : i32
        %dma_wait3A_291 = arith.constant 0 : i32
        %dma_wait3A_292 = tpu.memref_slice %arg7[%dma_wait3A_288, %dma_wait3A_290, %dma_wait3A_291] : memref<2x20x128xi32, #tpu.memory_space<vmem>> -> memref<1x20x128xi32, #tpu.memory_space<vmem>>
        %dma_wait3A_293 = tpu.memref_squeeze %dma_wait3A_292 : memref<1x20x128xi32, #tpu.memory_space<vmem>> -> memref<20x128xi32, #tpu.memory_space<vmem>>
        %dma_wait3A_294 = arith.constant 0 : i32
        %dma_wait3A_295 = tpu.memref_slice %dma_wait3A_293[%dma_wait3A_289, %dma_wait3A_294] : memref<20x128xi32, #tpu.memory_space<vmem>> -> memref<1x128xi32, #tpu.memory_space<vmem>>
        %dma_wait3A_296 = tpu.memref_squeeze %dma_wait3A_295 : memref<1x128xi32, #tpu.memory_space<vmem>> -> memref<128xi32, #tpu.memory_space<vmem>>
        %dma_wait3A_297 = arith.constant 0 : i32
        %dma_wait3A_298 = arith.constant 0 : i32
        %dma_wait3A_299 = tpu.memref_slice %arg2[%dma_wait3A_297, %dma_wait3A_298] : memref<10000x128xf32, #tpu.memory_space<hbm>> -> memref<10000x128xf32, #tpu.memory_space<hbm>>
        tpu.wait_indirect_dma semaphore(%arg13 : memref<!tpu.dma_semaphore, #tpu.memory_space<semaphore_mem>>) src(%dma_wait3A_299 : memref<10000x128xf32, #tpu.memory_space<hbm>>) dst(%arg10 : memref<128x128xf32, #tpu.memory_space<vmem>>)
        %add3A_300 = arith.constant 1 : i32
        %add3A_301 = arith.addi %mul3A_268, %add3A_300 : i32
        "tpu.region"() ({
          %run_scoped3A = tpu.sem_alloc : memref<!tpu.dma_semaphore, #tpu.memory_space<semaphore_mem>>
          %dma_start3A_309 = arith.constant 0 : i32
          %dma_start3A_310 = arith.constant 0 : i32
          %dma_start3A_311 = tpu.memref_slice %arg8[%scan3A_155, %dma_start3A_309, %dma_start3A_310] : memref<2x20x128xi32, #tpu.memory_space<vmem>> -> memref<1x20x128xi32, #tpu.memory_space<vmem>>
          %dma_start3A_312 = tpu.memref_squeeze %dma_start3A_311 : memref<1x20x128xi32, #tpu.memory_space<vmem>> -> memref<20x128xi32, #tpu.memory_space<vmem>>
          %dma_start3A_313 = arith.constant 0 : i32
          %dma_start3A_314 = tpu.memref_slice %dma_start3A_312[%add3A_301, %dma_start3A_313] : memref<20x128xi32, #tpu.memory_space<vmem>> -> memref<1x128xi32, #tpu.memory_space<vmem>>
          %dma_start3A_315 = tpu.memref_squeeze %dma_start3A_314 : memref<1x128xi32, #tpu.memory_space<vmem>> -> memref<128xi32, #tpu.memory_space<vmem>>
          %dma_start3A_316 = arith.constant 0 : i32
          %dma_start3A_317 = arith.constant 0 : i32
          %dma_start3A_318 = tpu.memref_slice %arg11[%dma_start3A_316, %dma_start3A_317] : memref<10112x128xf32, #tpu.memory_space<vmem_shared>> -> memref<10112x128xf32, #tpu.memory_space<vmem_shared>>
          tpu.enqueue_indirect_dma source(%arg10 : memref<128x128xf32, #tpu.memory_space<vmem>>) target(%dma_start3A_318 : memref<10112x128xf32, #tpu.memory_space<vmem_shared>>) offsets(%dma_start3A_315 : memref<128xi32, #tpu.memory_space<vmem>>) semaphore(%run_scoped3A : memref<!tpu.dma_semaphore, #tpu.memory_space<semaphore_mem>>) {add = true}
          %dma_wait3A_319 = arith.constant 0 : i32
          %dma_wait3A_320 = arith.constant 0 : i32
          %dma_wait3A_321 = tpu.memref_slice %arg8[%scan3A_155, %dma_wait3A_319, %dma_wait3A_320] : memref<2x20x128xi32, #tpu.memory_space<vmem>> -> memref<1x20x128xi32, #tpu.memory_space<vmem>>
          %dma_wait3A_322 = tpu.memref_squeeze %dma_wait3A_321 : memref<1x20x128xi32, #tpu.memory_space<vmem>> -> memref<20x128xi32, #tpu.memory_space<vmem>>
          %dma_wait3A_323 = arith.constant 0 : i32
          %dma_wait3A_324 = tpu.memref_slice %dma_wait3A_322[%add3A_301, %dma_wait3A_323] : memref<20x128xi32, #tpu.memory_space<vmem>> -> memref<1x128xi32, #tpu.memory_space<vmem>>
          %dma_wait3A_325 = tpu.memref_squeeze %dma_wait3A_324 : memref<1x128xi32, #tpu.memory_space<vmem>> -> memref<128xi32, #tpu.memory_space<vmem>>
          %dma_wait3A_326 = arith.constant 0 : i32
          %dma_wait3A_327 = arith.constant 0 : i32
          %dma_wait3A_328 = tpu.memref_slice %arg11[%dma_wait3A_326, %dma_wait3A_327] : memref<10112x128xf32, #tpu.memory_space<vmem_shared>> -> memref<10112x128xf32, #tpu.memory_space<vmem_shared>>
          tpu.wait_indirect_dma semaphore(%run_scoped3A : memref<!tpu.dma_semaphore, #tpu.memory_space<semaphore_mem>>) src(%arg10 : memref<128x128xf32, #tpu.memory_space<vmem>>) dst(%dma_wait3A_328 : memref<10112x128xf32, #tpu.memory_space<vmem_shared>>)
          tpu.yield
        }) : () -> ()
        %add3A_302 = arith.constant 3 : i32
        %add3A_303 = arith.addi %mul3A_268, %add3A_302 : i32
        %lt3A_304 = arith.constant 20 : i32
        %lt3A_305 = arith.cmpi slt, %add3A_303, %lt3A_304 : i32
        %convert_element_type3A_306 = arith.extui %lt3A_305 : i1 to i32
        %cond3A_307 = arith.constant 0 : i32
        %cond3A_308 = arith.cmpi ne, %convert_element_type3A_306, %cond3A_307 : i32
        scf.if %cond3A_308 {
          %add3A_309 = arith.constant 3 : i32
          %add3A_310 = arith.addi %mul3A_268, %add3A_309 : i32
          %dma_start3A_311 = arith.constant 0 : i32
          %dma_start3A_312 = arith.constant 0 : i32
          %dma_start3A_313 = tpu.memref_slice %arg7[%scan3A_156, %dma_start3A_311, %dma_start3A_312] : memref<2x20x128xi32, #tpu.memory_space<vmem>> -> memref<1x20x128xi32, #tpu.memory_space<vmem>>
          %dma_start3A_314 = tpu.memref_squeeze %dma_start3A_313 : memref<1x20x128xi32, #tpu.memory_space<vmem>> -> memref<20x128xi32, #tpu.memory_space<vmem>>
          %dma_start3A_315 = arith.constant 0 : i32
          %dma_start3A_316 = tpu.memref_slice %dma_start3A_314[%add3A_310, %dma_start3A_315] : memref<20x128xi32, #tpu.memory_space<vmem>> -> memref<1x128xi32, #tpu.memory_space<vmem>>
          %dma_start3A_317 = tpu.memref_squeeze %dma_start3A_316 : memref<1x128xi32, #tpu.memory_space<vmem>> -> memref<128xi32, #tpu.memory_space<vmem>>
          %dma_start3A_318 = arith.constant 0 : i32
          %dma_start3A_319 = arith.constant 0 : i32
          %dma_start3A_320 = tpu.memref_slice %arg2[%dma_start3A_318, %dma_start3A_319] : memref<10000x128xf32, #tpu.memory_space<hbm>> -> memref<10000x128xf32, #tpu.memory_space<hbm>>
          tpu.enqueue_indirect_dma source(%dma_start3A_320 : memref<10000x128xf32, #tpu.memory_space<hbm>>) target(%arg10 : memref<128x128xf32, #tpu.memory_space<vmem>>) offsets(%dma_start3A_317 : memref<128xi32, #tpu.memory_space<vmem>>) semaphore(%arg13 : memref<!tpu.dma_semaphore, #tpu.memory_space<semaphore_mem>>)
        } else {
        }
      }
      %scan3A_161 = arith.constant 10 : i32
      %mul3A_162 = arith.constant 2 : i32
      %mul3A_163 = arith.muli %mul3A_162, %add3A_67 : i32
      %add3A_164 = arith.constant 1 : i32
      %add3A_165 = arith.addi %mul3A_163, %add3A_164 : i32
      %dma_wait3A_166 = arith.constant 0 : i32
      %dma_wait3A_167 = arith.constant 0 : i32
      %dma_wait3A_168 = arith.constant 0 : i32
      %dma_wait3A_169 = arith.constant 0 : i32
      %dma_wait3A_170 = arith.constant 0 : i32
      %dma_wait3A_171 = tpu.memref_slice %arg7[%dma_wait3A_168, %dma_wait3A_169, %dma_wait3A_170] : memref<2x20x128xi32, #tpu.memory_space<vmem>> -> memref<1x20x128xi32, #tpu.memory_space<vmem>>
      %dma_wait3A_172 = tpu.memref_squeeze %dma_wait3A_171 : memref<1x20x128xi32, #tpu.memory_space<vmem>> -> memref<20x128xi32, #tpu.memory_space<vmem>>
      %dma_wait3A_173 = arith.constant 0 : i32
      %dma_wait3A_174 = arith.constant 0 : i32
      %dma_wait3A_175 = arith.constant 0 : i32
      %dma_wait3A_176 = tpu.memref_slice %arg4[%dma_wait3A_166, %dma_wait3A_173, %dma_wait3A_174, %dma_wait3A_175] : memref<32x4x20x128xi32, #tpu.memory_space<hbm>> -> memref<1x4x20x128xi32, #tpu.memory_space<hbm>>
      %dma_wait3A_177 = tpu.memref_squeeze %dma_wait3A_176 : memref<1x4x20x128xi32, #tpu.memory_space<hbm>> -> memref<4x20x128xi32, #tpu.memory_space<hbm>>
      %dma_wait3A_178 = arith.constant 0 : i32
      %dma_wait3A_179 = arith.constant 0 : i32
      %dma_wait3A_180 = tpu.memref_slice %dma_wait3A_177[%dma_wait3A_167, %dma_wait3A_178, %dma_wait3A_179] : memref<4x20x128xi32, #tpu.memory_space<hbm>> -> memref<1x20x128xi32, #tpu.memory_space<hbm>>
      %dma_wait3A_181 = tpu.memref_squeeze %dma_wait3A_180 : memref<1x20x128xi32, #tpu.memory_space<hbm>> -> memref<20x128xi32, #tpu.memory_space<hbm>>
      %dma_wait3A_182 = arith.constant 0 : i32
      %dma_wait3A_183 = arith.constant 0 : i32
      %dma_wait3A_184 = tpu.memref_slice %arg7[%dma_wait3A_168, %dma_wait3A_182, %dma_wait3A_183] : memref<2x20x128xi32, #tpu.memory_space<vmem>> -> memref<1x20x128xi32, #tpu.memory_space<vmem>>
      %dma_wait3A_185 = tpu.memref_squeeze %dma_wait3A_184 : memref<1x20x128xi32, #tpu.memory_space<vmem>> -> memref<20x128xi32, #tpu.memory_space<vmem>>
      %dma_wait3A_186 = arith.constant 0 : i32
      %dma_wait3A_187 = arith.constant 0 : i32
      %dma_wait3A_188 = arith.constant 0 : i32
      %dma_wait3A_189 = tpu.memref_slice %arg4[%dma_wait3A_166, %dma_wait3A_186, %dma_wait3A_187, %dma_wait3A_188] : memref<32x4x20x128xi32, #tpu.memory_space<hbm>> -> memref<1x4x20x128xi32, #tpu.memory_space<hbm>>
      %dma_wait3A_190 = tpu.memref_squeeze %dma_wait3A_189 : memref<1x4x20x128xi32, #tpu.memory_space<hbm>> -> memref<4x20x128xi32, #tpu.memory_space<hbm>>
      %dma_wait3A_191 = arith.constant 0 : i32
      %dma_wait3A_192 = arith.constant 0 : i32
      %dma_wait3A_193 = tpu.memref_slice %dma_wait3A_190[%dma_wait3A_167, %dma_wait3A_191, %dma_wait3A_192] : memref<4x20x128xi32, #tpu.memory_space<hbm>> -> memref<1x20x128xi32, #tpu.memory_space<hbm>>
      %dma_wait3A_194 = tpu.memref_squeeze %dma_wait3A_193 : memref<1x20x128xi32, #tpu.memory_space<hbm>> -> memref<20x128xi32, #tpu.memory_space<hbm>>
      tpu.wait_dma2 semaphore(%arg14 : memref<!tpu.dma_semaphore, #tpu.memory_space<semaphore_mem>>) src(%dma_wait3A_194 : memref<20x128xi32, #tpu.memory_space<hbm>>) dst(%dma_wait3A_185 : memref<20x128xi32, #tpu.memory_space<vmem>>)
      %dma_wait3A_195 = arith.constant 0 : i32
      %dma_wait3A_196 = arith.constant 0 : i32
      %dma_wait3A_197 = arith.constant 0 : i32
      %dma_wait3A_198 = arith.constant 0 : i32
      %dma_wait3A_199 = arith.constant 0 : i32
      %dma_wait3A_200 = tpu.memref_slice %arg8[%dma_wait3A_197, %dma_wait3A_198, %dma_wait3A_199] : memref<2x20x128xi32, #tpu.memory_space<vmem>> -> memref<1x20x128xi32, #tpu.memory_space<vmem>>
      %dma_wait3A_201 = tpu.memref_squeeze %dma_wait3A_200 : memref<1x20x128xi32, #tpu.memory_space<vmem>> -> memref<20x128xi32, #tpu.memory_space<vmem>>
      %dma_wait3A_202 = arith.constant 0 : i32
      %dma_wait3A_203 = arith.constant 0 : i32
      %dma_wait3A_204 = arith.constant 0 : i32
      %dma_wait3A_205 = tpu.memref_slice %arg5[%dma_wait3A_195, %dma_wait3A_202, %dma_wait3A_203, %dma_wait3A_204] : memref<32x4x20x128xi32, #tpu.memory_space<hbm>> -> memref<1x4x20x128xi32, #tpu.memory_space<hbm>>
      %dma_wait3A_206 = tpu.memref_squeeze %dma_wait3A_205 : memref<1x4x20x128xi32, #tpu.memory_space<hbm>> -> memref<4x20x128xi32, #tpu.memory_space<hbm>>
      %dma_wait3A_207 = arith.constant 0 : i32
      %dma_wait3A_208 = arith.constant 0 : i32
      %dma_wait3A_209 = tpu.memref_slice %dma_wait3A_206[%dma_wait3A_196, %dma_wait3A_207, %dma_wait3A_208] : memref<4x20x128xi32, #tpu.memory_space<hbm>> -> memref<1x20x128xi32, #tpu.memory_space<hbm>>
      %dma_wait3A_210 = tpu.memref_squeeze %dma_wait3A_209 : memref<1x20x128xi32, #tpu.memory_space<hbm>> -> memref<20x128xi32, #tpu.memory_space<hbm>>
      %dma_wait3A_211 = arith.constant 0 : i32
      %dma_wait3A_212 = arith.constant 0 : i32
      %dma_wait3A_213 = tpu.memref_slice %arg8[%dma_wait3A_197, %dma_wait3A_211, %dma_wait3A_212] : memref<2x20x128xi32, #tpu.memory_space<vmem>> -> memref<1x20x128xi32, #tpu.memory_space<vmem>>
      %dma_wait3A_214 = tpu.memref_squeeze %dma_wait3A_213 : memref<1x20x128xi32, #tpu.memory_space<vmem>> -> memref<20x128xi32, #tpu.memory_space<vmem>>
      %dma_wait3A_215 = arith.constant 0 : i32
      %dma_wait3A_216 = arith.constant 0 : i32
      %dma_wait3A_217 = arith.constant 0 : i32
      %dma_wait3A_218 = tpu.memref_slice %arg5[%dma_wait3A_195, %dma_wait3A_215, %dma_wait3A_216, %dma_wait3A_217] : memref<32x4x20x128xi32, #tpu.memory_space<hbm>> -> memref<1x4x20x128xi32, #tpu.memory_space<hbm>>
      %dma_wait3A_219 = tpu.memref_squeeze %dma_wait3A_218 : memref<1x4x20x128xi32, #tpu.memory_space<hbm>> -> memref<4x20x128xi32, #tpu.memory_space<hbm>>
      %dma_wait3A_220 = arith.constant 0 : i32
      %dma_wait3A_221 = arith.constant 0 : i32
      %dma_wait3A_222 = tpu.memref_slice %dma_wait3A_219[%dma_wait3A_196, %dma_wait3A_220, %dma_wait3A_221] : memref<4x20x128xi32, #tpu.memory_space<hbm>> -> memref<1x20x128xi32, #tpu.memory_space<hbm>>
      %dma_wait3A_223 = tpu.memref_squeeze %dma_wait3A_222 : memref<1x20x128xi32, #tpu.memory_space<hbm>> -> memref<20x128xi32, #tpu.memory_space<hbm>>
      tpu.wait_dma2 semaphore(%arg14 : memref<!tpu.dma_semaphore, #tpu.memory_space<semaphore_mem>>) src(%dma_wait3A_223 : memref<20x128xi32, #tpu.memory_space<hbm>>) dst(%dma_wait3A_214 : memref<20x128xi32, #tpu.memory_space<vmem>>)
      %add3A_224 = arith.constant 1 : i32
      %add3A_225 = arith.addi %add3A_165, %add3A_224 : i32
      %lt3A_226 = arith.constant 4 : i32
      %lt3A_227 = arith.cmpi slt, %add3A_225, %lt3A_226 : i32
      %convert_element_type3A_228 = arith.extui %lt3A_227 : i1 to i32
      %cond3A_229 = arith.constant 0 : i32
      %cond3A_230 = arith.cmpi ne, %convert_element_type3A_228, %cond3A_229 : i32
      scf.if %cond3A_230 {
        %add3A_262 = arith.constant 1 : i32
        %add3A_263 = arith.addi %add3A_165, %add3A_262 : i32
        %dma_start3A_264 = arith.constant 0 : i32
        %dma_start3A_265 = arith.constant 0 : i32
        %dma_start3A_266 = arith.constant 0 : i32
        %dma_start3A_267 = tpu.memref_slice %arg7[%dma_start3A_264, %dma_start3A_265, %dma_start3A_266] : memref<2x20x128xi32, #tpu.memory_space<vmem>> -> memref<1x20x128xi32, #tpu.memory_space<vmem>>
        %dma_start3A_268 = tpu.memref_squeeze %dma_start3A_267 : memref<1x20x128xi32, #tpu.memory_space<vmem>> -> memref<20x128xi32, #tpu.memory_space<vmem>>
        %dma_start3A_269 = arith.constant 0 : i32
        %dma_start3A_270 = arith.constant 0 : i32
        %dma_start3A_271 = arith.constant 0 : i32
        %dma_start3A_272 = tpu.memref_slice %arg4[%add3A, %dma_start3A_269, %dma_start3A_270, %dma_start3A_271] : memref<32x4x20x128xi32, #tpu.memory_space<hbm>> -> memref<1x4x20x128xi32, #tpu.memory_space<hbm>>
        %dma_start3A_273 = tpu.memref_squeeze %dma_start3A_272 : memref<1x4x20x128xi32, #tpu.memory_space<hbm>> -> memref<4x20x128xi32, #tpu.memory_space<hbm>>
        %dma_start3A_274 = arith.constant 0 : i32
        %dma_start3A_275 = arith.constant 0 : i32
        %dma_start3A_276 = tpu.memref_slice %dma_start3A_273[%add3A_263, %dma_start3A_274, %dma_start3A_275] : memref<4x20x128xi32, #tpu.memory_space<hbm>> -> memref<1x20x128xi32, #tpu.memory_space<hbm>>
        %dma_start3A_277 = tpu.memref_squeeze %dma_start3A_276 : memref<1x20x128xi32, #tpu.memory_space<hbm>> -> memref<20x128xi32, #tpu.memory_space<hbm>>
        %dma_start3A_278 = arith.constant 0 : i32
        %dma_start3A_279 = arith.constant 0 : i32
        %dma_start3A_280 = tpu.memref_slice %arg7[%dma_start3A_264, %dma_start3A_278, %dma_start3A_279] : memref<2x20x128xi32, #tpu.memory_space<vmem>> -> memref<1x20x128xi32, #tpu.memory_space<vmem>>
        %dma_start3A_281 = tpu.memref_squeeze %dma_start3A_280 : memref<1x20x128xi32, #tpu.memory_space<vmem>> -> memref<20x128xi32, #tpu.memory_space<vmem>>
        %dma_start3A_282 = arith.constant 0 : i32
        %dma_start3A_283 = arith.constant 0 : i32
        %dma_start3A_284 = arith.constant 0 : i32
        %dma_start3A_285 = tpu.memref_slice %arg4[%add3A, %dma_start3A_282, %dma_start3A_283, %dma_start3A_284] : memref<32x4x20x128xi32, #tpu.memory_space<hbm>> -> memref<1x4x20x128xi32, #tpu.memory_space<hbm>>
        %dma_start3A_286 = tpu.memref_squeeze %dma_start3A_285 : memref<1x4x20x128xi32, #tpu.memory_space<hbm>> -> memref<4x20x128xi32, #tpu.memory_space<hbm>>
        %dma_start3A_287 = arith.constant 0 : i32
        %dma_start3A_288 = arith.constant 0 : i32
        %dma_start3A_289 = tpu.memref_slice %dma_start3A_286[%add3A_263, %dma_start3A_287, %dma_start3A_288] : memref<4x20x128xi32, #tpu.memory_space<hbm>> -> memref<1x20x128xi32, #tpu.memory_space<hbm>>
        %dma_start3A_290 = tpu.memref_squeeze %dma_start3A_289 : memref<1x20x128xi32, #tpu.memory_space<hbm>> -> memref<20x128xi32, #tpu.memory_space<hbm>>
        tpu.enqueue_dma source(%dma_start3A_290 : memref<20x128xi32, #tpu.memory_space<hbm>>) target(%dma_start3A_281 : memref<20x128xi32, #tpu.memory_space<vmem>>) target_semaphore(%arg14 : memref<!tpu.dma_semaphore, #tpu.memory_space<semaphore_mem>>)
        %add3A_291 = arith.constant 1 : i32
        %add3A_292 = arith.addi %add3A_165, %add3A_291 : i32
        %dma_start3A_293 = arith.constant 0 : i32
        %dma_start3A_294 = arith.constant 0 : i32
        %dma_start3A_295 = arith.constant 0 : i32
        %dma_start3A_296 = tpu.memref_slice %arg8[%dma_start3A_293, %dma_start3A_294, %dma_start3A_295] : memref<2x20x128xi32, #tpu.memory_space<vmem>> -> memref<1x20x128xi32, #tpu.memory_space<vmem>>
        %dma_start3A_297 = tpu.memref_squeeze %dma_start3A_296 : memref<1x20x128xi32, #tpu.memory_space<vmem>> -> memref<20x128xi32, #tpu.memory_space<vmem>>
        %dma_start3A_298 = arith.constant 0 : i32
        %dma_start3A_299 = arith.constant 0 : i32
        %dma_start3A_300 = arith.constant 0 : i32
        %dma_start3A_301 = tpu.memref_slice %arg5[%add3A, %dma_start3A_298, %dma_start3A_299, %dma_start3A_300] : memref<32x4x20x128xi32, #tpu.memory_space<hbm>> -> memref<1x4x20x128xi32, #tpu.memory_space<hbm>>
        %dma_start3A_302 = tpu.memref_squeeze %dma_start3A_301 : memref<1x4x20x128xi32, #tpu.memory_space<hbm>> -> memref<4x20x128xi32, #tpu.memory_space<hbm>>
        %dma_start3A_303 = arith.constant 0 : i32
        %dma_start3A_304 = arith.constant 0 : i32
        %dma_start3A_305 = tpu.memref_slice %dma_start3A_302[%add3A_292, %dma_start3A_303, %dma_start3A_304] : memref<4x20x128xi32, #tpu.memory_space<hbm>> -> memref<1x20x128xi32, #tpu.memory_space<hbm>>
        %dma_start3A_306 = tpu.memref_squeeze %dma_start3A_305 : memref<1x20x128xi32, #tpu.memory_space<hbm>> -> memref<20x128xi32, #tpu.memory_space<hbm>>
        %dma_start3A_307 = arith.constant 0 : i32
        %dma_start3A_308 = arith.constant 0 : i32
        %dma_start3A_309 = tpu.memref_slice %arg8[%dma_start3A_293, %dma_start3A_307, %dma_start3A_308] : memref<2x20x128xi32, #tpu.memory_space<vmem>> -> memref<1x20x128xi32, #tpu.memory_space<vmem>>
        %dma_start3A_310 = tpu.memref_squeeze %dma_start3A_309 : memref<1x20x128xi32, #tpu.memory_space<vmem>> -> memref<20x128xi32, #tpu.memory_space<vmem>>
        %dma_start3A_311 = arith.constant 0 : i32
        %dma_start3A_312 = arith.constant 0 : i32
        %dma_start3A_313 = arith.constant 0 : i32
        %dma_start3A_314 = tpu.memref_slice %arg5[%add3A, %dma_start3A_311, %dma_start3A_312, %dma_start3A_313] : memref<32x4x20x128xi32, #tpu.memory_space<hbm>> -> memref<1x4x20x128xi32, #tpu.memory_space<hbm>>
        %dma_start3A_315 = tpu.memref_squeeze %dma_start3A_314 : memref<1x4x20x128xi32, #tpu.memory_space<hbm>> -> memref<4x20x128xi32, #tpu.memory_space<hbm>>
        %dma_start3A_316 = arith.constant 0 : i32
        %dma_start3A_317 = arith.constant 0 : i32
        %dma_start3A_318 = tpu.memref_slice %dma_start3A_315[%add3A_292, %dma_start3A_316, %dma_start3A_317] : memref<4x20x128xi32, #tpu.memory_space<hbm>> -> memref<1x20x128xi32, #tpu.memory_space<hbm>>
        %dma_start3A_319 = tpu.memref_squeeze %dma_start3A_318 : memref<1x20x128xi32, #tpu.memory_space<hbm>> -> memref<20x128xi32, #tpu.memory_space<hbm>>
        tpu.enqueue_dma source(%dma_start3A_319 : memref<20x128xi32, #tpu.memory_space<hbm>>) target(%dma_start3A_310 : memref<20x128xi32, #tpu.memory_space<vmem>>) target_semaphore(%arg14 : memref<!tpu.dma_semaphore, #tpu.memory_space<semaphore_mem>>)
      } else {
      }
      %dma_start3A_231 = arith.constant 1 : i32
      %dma_start3A_232 = arith.constant 0 : i32
      %dma_start3A_233 = arith.constant 0 : i32
      %dma_start3A_234 = arith.constant 0 : i32
      %dma_start3A_235 = tpu.memref_slice %arg7[%dma_start3A_231, %dma_start3A_233, %dma_start3A_234] : memref<2x20x128xi32, #tpu.memory_space<vmem>> -> memref<1x20x128xi32, #tpu.memory_space<vmem>>
      %dma_start3A_236 = tpu.memref_squeeze %dma_start3A_235 : memref<1x20x128xi32, #tpu.memory_space<vmem>> -> memref<20x128xi32, #tpu.memory_space<vmem>>
      %dma_start3A_237 = arith.constant 0 : i32
      %dma_start3A_238 = tpu.memref_slice %dma_start3A_236[%dma_start3A_232, %dma_start3A_237] : memref<20x128xi32, #tpu.memory_space<vmem>> -> memref<1x128xi32, #tpu.memory_space<vmem>>
      %dma_start3A_239 = tpu.memref_squeeze %dma_start3A_238 : memref<1x128xi32, #tpu.memory_space<vmem>> -> memref<128xi32, #tpu.memory_space<vmem>>
      %dma_start3A_240 = arith.constant 0 : i32
      %dma_start3A_241 = arith.constant 0 : i32
      %dma_start3A_242 = tpu.memref_slice %arg2[%dma_start3A_240, %dma_start3A_241] : memref<10000x128xf32, #tpu.memory_space<hbm>> -> memref<10000x128xf32, #tpu.memory_space<hbm>>
      tpu.enqueue_indirect_dma source(%dma_start3A_242 : memref<10000x128xf32, #tpu.memory_space<hbm>>) target(%arg9 : memref<128x128xf32, #tpu.memory_space<vmem>>) offsets(%dma_start3A_239 : memref<128xi32, #tpu.memory_space<vmem>>) semaphore(%arg12 : memref<!tpu.dma_semaphore, #tpu.memory_space<semaphore_mem>>)
      %dma_start3A_243 = arith.constant 1 : i32
      %dma_start3A_244 = arith.constant 1 : i32
      %dma_start3A_245 = arith.constant 0 : i32
      %dma_start3A_246 = arith.constant 0 : i32
      %dma_start3A_247 = tpu.memref_slice %arg7[%dma_start3A_243, %dma_start3A_245, %dma_start3A_246] : memref<2x20x128xi32, #tpu.memory_space<vmem>> -> memref<1x20x128xi32, #tpu.memory_space<vmem>>
      %dma_start3A_248 = tpu.memref_squeeze %dma_start3A_247 : memref<1x20x128xi32, #tpu.memory_space<vmem>> -> memref<20x128xi32, #tpu.memory_space<vmem>>
      %dma_start3A_249 = arith.constant 0 : i32
      %dma_start3A_250 = tpu.memref_slice %dma_start3A_248[%dma_start3A_244, %dma_start3A_249] : memref<20x128xi32, #tpu.memory_space<vmem>> -> memref<1x128xi32, #tpu.memory_space<vmem>>
      %dma_start3A_251 = tpu.memref_squeeze %dma_start3A_250 : memref<1x128xi32, #tpu.memory_space<vmem>> -> memref<128xi32, #tpu.memory_space<vmem>>
      %dma_start3A_252 = arith.constant 0 : i32
      %dma_start3A_253 = arith.constant 0 : i32
      %dma_start3A_254 = tpu.memref_slice %arg2[%dma_start3A_252, %dma_start3A_253] : memref<10000x128xf32, #tpu.memory_space<hbm>> -> memref<10000x128xf32, #tpu.memory_space<hbm>>
      tpu.enqueue_indirect_dma source(%dma_start3A_254 : memref<10000x128xf32, #tpu.memory_space<hbm>>) target(%arg10 : memref<128x128xf32, #tpu.memory_space<vmem>>) offsets(%dma_start3A_251 : memref<128xi32, #tpu.memory_space<vmem>>) semaphore(%arg13 : memref<!tpu.dma_semaphore, #tpu.memory_space<semaphore_mem>>)
      %scan3A_255 = arith.constant 1 : i32
      %scan3A_256 = arith.constant 1 : i32
      %scan3A_257 = arith.constant 0 : i32
      %scan3A_258 = arith.constant 10 : i32
      %scan3A_259 = arith.addi %scan3A_257, %scan3A_258 : i32
      %scan3A_260 = arith.constant 1 : i32
      scf.for %scan3A_262 = %scan3A_257 to %scan3A_259 step %scan3A_260  : i32 {
        %mul3A_263 = arith.constant 1 : i32
        %mul3A_264 = arith.muli %scan3A_262, %mul3A_263 : i32
        %add3A_265 = arith.constant 0 : i32
        %add3A_266 = arith.addi %add3A_265, %mul3A_264 : i32
        %mul3A_267 = arith.constant 2 : i32
        %mul3A_268 = arith.muli %mul3A_267, %add3A_266 : i32
        %dma_wait3A_269 = arith.constant 0 : i32
        %dma_wait3A_270 = arith.constant 0 : i32
        %dma_wait3A_271 = arith.constant 0 : i32
        %dma_wait3A_272 = arith.constant 0 : i32
        %dma_wait3A_273 = tpu.memref_slice %arg7[%dma_wait3A_269, %dma_wait3A_271, %dma_wait3A_272] : memref<2x20x128xi32, #tpu.memory_space<vmem>> -> memref<1x20x128xi32, #tpu.memory_space<vmem>>
        %dma_wait3A_274 = tpu.memref_squeeze %dma_wait3A_273 : memref<1x20x128xi32, #tpu.memory_space<vmem>> -> memref<20x128xi32, #tpu.memory_space<vmem>>
        %dma_wait3A_275 = arith.constant 0 : i32
        %dma_wait3A_276 = tpu.memref_slice %dma_wait3A_274[%dma_wait3A_270, %dma_wait3A_275] : memref<20x128xi32, #tpu.memory_space<vmem>> -> memref<1x128xi32, #tpu.memory_space<vmem>>
        %dma_wait3A_277 = tpu.memref_squeeze %dma_wait3A_276 : memref<1x128xi32, #tpu.memory_space<vmem>> -> memref<128xi32, #tpu.memory_space<vmem>>
        %dma_wait3A_278 = arith.constant 0 : i32
        %dma_wait3A_279 = arith.constant 0 : i32
        %dma_wait3A_280 = tpu.memref_slice %arg2[%dma_wait3A_278, %dma_wait3A_279] : memref<10000x128xf32, #tpu.memory_space<hbm>> -> memref<10000x128xf32, #tpu.memory_space<hbm>>
        tpu.wait_indirect_dma semaphore(%arg12 : memref<!tpu.dma_semaphore, #tpu.memory_space<semaphore_mem>>) src(%dma_wait3A_280 : memref<10000x128xf32, #tpu.memory_space<hbm>>) dst(%arg9 : memref<128x128xf32, #tpu.memory_space<vmem>>)
        "tpu.region"() ({
          %run_scoped3A = tpu.sem_alloc : memref<!tpu.dma_semaphore, #tpu.memory_space<semaphore_mem>>
          %dma_start3A_309 = arith.constant 0 : i32
          %dma_start3A_310 = arith.constant 0 : i32
          %dma_start3A_311 = tpu.memref_slice %arg8[%scan3A_255, %dma_start3A_309, %dma_start3A_310] : memref<2x20x128xi32, #tpu.memory_space<vmem>> -> memref<1x20x128xi32, #tpu.memory_space<vmem>>
          %dma_start3A_312 = tpu.memref_squeeze %dma_start3A_311 : memref<1x20x128xi32, #tpu.memory_space<vmem>> -> memref<20x128xi32, #tpu.memory_space<vmem>>
          %dma_start3A_313 = arith.constant 0 : i32
          %dma_start3A_314 = tpu.memref_slice %dma_start3A_312[%mul3A_268, %dma_start3A_313] : memref<20x128xi32, #tpu.memory_space<vmem>> -> memref<1x128xi32, #tpu.memory_space<vmem>>
          %dma_start3A_315 = tpu.memref_squeeze %dma_start3A_314 : memref<1x128xi32, #tpu.memory_space<vmem>> -> memref<128xi32, #tpu.memory_space<vmem>>
          %dma_start3A_316 = arith.constant 0 : i32
          %dma_start3A_317 = arith.constant 0 : i32
          %dma_start3A_318 = tpu.memref_slice %arg11[%dma_start3A_316, %dma_start3A_317] : memref<10112x128xf32, #tpu.memory_space<vmem_shared>> -> memref<10112x128xf32, #tpu.memory_space<vmem_shared>>
          tpu.enqueue_indirect_dma source(%arg9 : memref<128x128xf32, #tpu.memory_space<vmem>>) target(%dma_start3A_318 : memref<10112x128xf32, #tpu.memory_space<vmem_shared>>) offsets(%dma_start3A_315 : memref<128xi32, #tpu.memory_space<vmem>>) semaphore(%run_scoped3A : memref<!tpu.dma_semaphore, #tpu.memory_space<semaphore_mem>>) {add = true}
          %dma_wait3A_319 = arith.constant 0 : i32
          %dma_wait3A_320 = arith.constant 0 : i32
          %dma_wait3A_321 = tpu.memref_slice %arg8[%scan3A_255, %dma_wait3A_319, %dma_wait3A_320] : memref<2x20x128xi32, #tpu.memory_space<vmem>> -> memref<1x20x128xi32, #tpu.memory_space<vmem>>
          %dma_wait3A_322 = tpu.memref_squeeze %dma_wait3A_321 : memref<1x20x128xi32, #tpu.memory_space<vmem>> -> memref<20x128xi32, #tpu.memory_space<vmem>>
          %dma_wait3A_323 = arith.constant 0 : i32
          %dma_wait3A_324 = tpu.memref_slice %dma_wait3A_322[%mul3A_268, %dma_wait3A_323] : memref<20x128xi32, #tpu.memory_space<vmem>> -> memref<1x128xi32, #tpu.memory_space<vmem>>
          %dma_wait3A_325 = tpu.memref_squeeze %dma_wait3A_324 : memref<1x128xi32, #tpu.memory_space<vmem>> -> memref<128xi32, #tpu.memory_space<vmem>>
          %dma_wait3A_326 = arith.constant 0 : i32
          %dma_wait3A_327 = arith.constant 0 : i32
          %dma_wait3A_328 = tpu.memref_slice %arg11[%dma_wait3A_326, %dma_wait3A_327] : memref<10112x128xf32, #tpu.memory_space<vmem_shared>> -> memref<10112x128xf32, #tpu.memory_space<vmem_shared>>
          tpu.wait_indirect_dma semaphore(%run_scoped3A : memref<!tpu.dma_semaphore, #tpu.memory_space<semaphore_mem>>) src(%arg9 : memref<128x128xf32, #tpu.memory_space<vmem>>) dst(%dma_wait3A_328 : memref<10112x128xf32, #tpu.memory_space<vmem_shared>>)
          tpu.yield
        }) : () -> ()
        %add3A_281 = arith.constant 2 : i32
        %add3A_282 = arith.addi %mul3A_268, %add3A_281 : i32
        %lt3A_283 = arith.constant 20 : i32
        %lt3A_284 = arith.cmpi slt, %add3A_282, %lt3A_283 : i32
        %convert_element_type3A_285 = arith.extui %lt3A_284 : i1 to i32
        %cond3A_286 = arith.constant 0 : i32
        %cond3A_287 = arith.cmpi ne, %convert_element_type3A_285, %cond3A_286 : i32
        scf.if %cond3A_287 {
          %add3A_309 = arith.constant 2 : i32
          %add3A_310 = arith.addi %mul3A_268, %add3A_309 : i32
          %dma_start3A_311 = arith.constant 0 : i32
          %dma_start3A_312 = arith.constant 0 : i32
          %dma_start3A_313 = tpu.memref_slice %arg7[%scan3A_256, %dma_start3A_311, %dma_start3A_312] : memref<2x20x128xi32, #tpu.memory_space<vmem>> -> memref<1x20x128xi32, #tpu.memory_space<vmem>>
          %dma_start3A_314 = tpu.memref_squeeze %dma_start3A_313 : memref<1x20x128xi32, #tpu.memory_space<vmem>> -> memref<20x128xi32, #tpu.memory_space<vmem>>
          %dma_start3A_315 = arith.constant 0 : i32
          %dma_start3A_316 = tpu.memref_slice %dma_start3A_314[%add3A_310, %dma_start3A_315] : memref<20x128xi32, #tpu.memory_space<vmem>> -> memref<1x128xi32, #tpu.memory_space<vmem>>
          %dma_start3A_317 = tpu.memref_squeeze %dma_start3A_316 : memref<1x128xi32, #tpu.memory_space<vmem>> -> memref<128xi32, #tpu.memory_space<vmem>>
          %dma_start3A_318 = arith.constant 0 : i32
          %dma_start3A_319 = arith.constant 0 : i32
          %dma_start3A_320 = tpu.memref_slice %arg2[%dma_start3A_318, %dma_start3A_319] : memref<10000x128xf32, #tpu.memory_space<hbm>> -> memref<10000x128xf32, #tpu.memory_space<hbm>>
          tpu.enqueue_indirect_dma source(%dma_start3A_320 : memref<10000x128xf32, #tpu.memory_space<hbm>>) target(%arg9 : memref<128x128xf32, #tpu.memory_space<vmem>>) offsets(%dma_start3A_317 : memref<128xi32, #tpu.memory_space<vmem>>) semaphore(%arg12 : memref<!tpu.dma_semaphore, #tpu.memory_space<semaphore_mem>>)
        } else {
        }
        %dma_wait3A_288 = arith.constant 0 : i32
        %dma_wait3A_289 = arith.constant 0 : i32
        %dma_wait3A_290 = arith.constant 0 : i32
        %dma_wait3A_291 = arith.constant 0 : i32
        %dma_wait3A_292 = tpu.memref_slice %arg7[%dma_wait3A_288, %dma_wait3A_290, %dma_wait3A_291] : memref<2x20x128xi32, #tpu.memory_space<vmem>> -> memref<1x20x128xi32, #tpu.memory_space<vmem>>
        %dma_wait3A_293 = tpu.memref_squeeze %dma_wait3A_292 : memref<1x20x128xi32, #tpu.memory_space<vmem>> -> memref<20x128xi32, #tpu.memory_space<vmem>>
        %dma_wait3A_294 = arith.constant 0 : i32
        %dma_wait3A_295 = tpu.memref_slice %dma_wait3A_293[%dma_wait3A_289, %dma_wait3A_294] : memref<20x128xi32, #tpu.memory_space<vmem>> -> memref<1x128xi32, #tpu.memory_space<vmem>>
        %dma_wait3A_296 = tpu.memref_squeeze %dma_wait3A_295 : memref<1x128xi32, #tpu.memory_space<vmem>> -> memref<128xi32, #tpu.memory_space<vmem>>
        %dma_wait3A_297 = arith.constant 0 : i32
        %dma_wait3A_298 = arith.constant 0 : i32
        %dma_wait3A_299 = tpu.memref_slice %arg2[%dma_wait3A_297, %dma_wait3A_298] : memref<10000x128xf32, #tpu.memory_space<hbm>> -> memref<10000x128xf32, #tpu.memory_space<hbm>>
        tpu.wait_indirect_dma semaphore(%arg13 : memref<!tpu.dma_semaphore, #tpu.memory_space<semaphore_mem>>) src(%dma_wait3A_299 : memref<10000x128xf32, #tpu.memory_space<hbm>>) dst(%arg10 : memref<128x128xf32, #tpu.memory_space<vmem>>)
        %add3A_300 = arith.constant 1 : i32
        %add3A_301 = arith.addi %mul3A_268, %add3A_300 : i32
        "tpu.region"() ({
          %run_scoped3A = tpu.sem_alloc : memref<!tpu.dma_semaphore, #tpu.memory_space<semaphore_mem>>
          %dma_start3A_309 = arith.constant 0 : i32
          %dma_start3A_310 = arith.constant 0 : i32
          %dma_start3A_311 = tpu.memref_slice %arg8[%scan3A_255, %dma_start3A_309, %dma_start3A_310] : memref<2x20x128xi32, #tpu.memory_space<vmem>> -> memref<1x20x128xi32, #tpu.memory_space<vmem>>
          %dma_start3A_312 = tpu.memref_squeeze %dma_start3A_311 : memref<1x20x128xi32, #tpu.memory_space<vmem>> -> memref<20x128xi32, #tpu.memory_space<vmem>>
          %dma_start3A_313 = arith.constant 0 : i32
          %dma_start3A_314 = tpu.memref_slice %dma_start3A_312[%add3A_301, %dma_start3A_313] : memref<20x128xi32, #tpu.memory_space<vmem>> -> memref<1x128xi32, #tpu.memory_space<vmem>>
          %dma_start3A_315 = tpu.memref_squeeze %dma_start3A_314 : memref<1x128xi32, #tpu.memory_space<vmem>> -> memref<128xi32, #tpu.memory_space<vmem>>
          %dma_start3A_316 = arith.constant 0 : i32
          %dma_start3A_317 = arith.constant 0 : i32
          %dma_start3A_318 = tpu.memref_slice %arg11[%dma_start3A_316, %dma_start3A_317] : memref<10112x128xf32, #tpu.memory_space<vmem_shared>> -> memref<10112x128xf32, #tpu.memory_space<vmem_shared>>
          tpu.enqueue_indirect_dma source(%arg10 : memref<128x128xf32, #tpu.memory_space<vmem>>) target(%dma_start3A_318 : memref<10112x128xf32, #tpu.memory_space<vmem_shared>>) offsets(%dma_start3A_315 : memref<128xi32, #tpu.memory_space<vmem>>) semaphore(%run_scoped3A : memref<!tpu.dma_semaphore, #tpu.memory_space<semaphore_mem>>) {add = true}
          %dma_wait3A_319 = arith.constant 0 : i32
          %dma_wait3A_320 = arith.constant 0 : i32
          %dma_wait3A_321 = tpu.memref_slice %arg8[%scan3A_255, %dma_wait3A_319, %dma_wait3A_320] : memref<2x20x128xi32, #tpu.memory_space<vmem>> -> memref<1x20x128xi32, #tpu.memory_space<vmem>>
          %dma_wait3A_322 = tpu.memref_squeeze %dma_wait3A_321 : memref<1x20x128xi32, #tpu.memory_space<vmem>> -> memref<20x128xi32, #tpu.memory_space<vmem>>
          %dma_wait3A_323 = arith.constant 0 : i32
          %dma_wait3A_324 = tpu.memref_slice %dma_wait3A_322[%add3A_301, %dma_wait3A_323] : memref<20x128xi32, #tpu.memory_space<vmem>> -> memref<1x128xi32, #tpu.memory_space<vmem>>
          %dma_wait3A_325 = tpu.memref_squeeze %dma_wait3A_324 : memref<1x128xi32, #tpu.memory_space<vmem>> -> memref<128xi32, #tpu.memory_space<vmem>>
          %dma_wait3A_326 = arith.constant 0 : i32
          %dma_wait3A_327 = arith.constant 0 : i32
          %dma_wait3A_328 = tpu.memref_slice %arg11[%dma_wait3A_326, %dma_wait3A_327] : memref<10112x128xf32, #tpu.memory_space<vmem_shared>> -> memref<10112x128xf32, #tpu.memory_space<vmem_shared>>
          tpu.wait_indirect_dma semaphore(%run_scoped3A : memref<!tpu.dma_semaphore, #tpu.memory_space<semaphore_mem>>) src(%arg10 : memref<128x128xf32, #tpu.memory_space<vmem>>) dst(%dma_wait3A_328 : memref<10112x128xf32, #tpu.memory_space<vmem_shared>>)
          tpu.yield
        }) : () -> ()
        %add3A_302 = arith.constant 3 : i32
        %add3A_303 = arith.addi %mul3A_268, %add3A_302 : i32
        %lt3A_304 = arith.constant 20 : i32
        %lt3A_305 = arith.cmpi slt, %add3A_303, %lt3A_304 : i32
        %convert_element_type3A_306 = arith.extui %lt3A_305 : i1 to i32
        %cond3A_307 = arith.constant 0 : i32
        %cond3A_308 = arith.cmpi ne, %convert_element_type3A_306, %cond3A_307 : i32
        scf.if %cond3A_308 {
          %add3A_309 = arith.constant 3 : i32
          %add3A_310 = arith.addi %mul3A_268, %add3A_309 : i32
          %dma_start3A_311 = arith.constant 0 : i32
          %dma_start3A_312 = arith.constant 0 : i32
          %dma_start3A_313 = tpu.memref_slice %arg7[%scan3A_256, %dma_start3A_311, %dma_start3A_312] : memref<2x20x128xi32, #tpu.memory_space<vmem>> -> memref<1x20x128xi32, #tpu.memory_space<vmem>>
          %dma_start3A_314 = tpu.memref_squeeze %dma_start3A_313 : memref<1x20x128xi32, #tpu.memory_space<vmem>> -> memref<20x128xi32, #tpu.memory_space<vmem>>
          %dma_start3A_315 = arith.constant 0 : i32
          %dma_start3A_316 = tpu.memref_slice %dma_start3A_314[%add3A_310, %dma_start3A_315] : memref<20x128xi32, #tpu.memory_space<vmem>> -> memref<1x128xi32, #tpu.memory_space<vmem>>
          %dma_start3A_317 = tpu.memref_squeeze %dma_start3A_316 : memref<1x128xi32, #tpu.memory_space<vmem>> -> memref<128xi32, #tpu.memory_space<vmem>>
          %dma_start3A_318 = arith.constant 0 : i32
          %dma_start3A_319 = arith.constant 0 : i32
          %dma_start3A_320 = tpu.memref_slice %arg2[%dma_start3A_318, %dma_start3A_319] : memref<10000x128xf32, #tpu.memory_space<hbm>> -> memref<10000x128xf32, #tpu.memory_space<hbm>>
          tpu.enqueue_indirect_dma source(%dma_start3A_320 : memref<10000x128xf32, #tpu.memory_space<hbm>>) target(%arg10 : memref<128x128xf32, #tpu.memory_space<vmem>>) offsets(%dma_start3A_317 : memref<128xi32, #tpu.memory_space<vmem>>) semaphore(%arg13 : memref<!tpu.dma_semaphore, #tpu.memory_space<semaphore_mem>>)
        } else {
        }
      }
      %scan3A_261 = arith.constant 10 : i32
    }
    %scan3A_61 = arith.constant 2 : i32
    %barrier3A_62 = arith.constant 0 : index
    tpu.barrier barrier_id(%barrier3A_62)
    "tpu.region"() ({
      %run_scoped3A = tpu.sem_alloc : memref<!tpu.dma_semaphore, #tpu.memory_space<semaphore_mem>>
      %dma_start3A_63 = arith.constant 0 : i32
      %dma_start3A_64 = arith.constant 0 : i32
      %dma_start3A_65 = tpu.memref_slice %arg6[%arg0, %dma_start3A_63, %dma_start3A_64] : memref<2x10112x128xf32, #tpu.memory_space<hbm>> -> memref<1x10112x128xf32, #tpu.memory_space<hbm>>
      %dma_start3A_66 = tpu.memref_squeeze %dma_start3A_65 : memref<1x10112x128xf32, #tpu.memory_space<hbm>> -> memref<10112x128xf32, #tpu.memory_space<hbm>>
      %dma_start3A_67 = arith.constant 0 : i32
      %dma_start3A_68 = tpu.memref_slice %dma_start3A_66[%mul3A_2, %dma_start3A_67] : memref<10112x128xf32, #tpu.memory_space<hbm>> -> memref<632x128xf32, #tpu.memory_space<hbm>>
      %dma_start3A_69 = arith.constant 0 : i32
      %dma_start3A_70 = tpu.memref_slice %arg11[%mul3A_2, %dma_start3A_69] : memref<10112x128xf32, #tpu.memory_space<vmem_shared>> -> memref<632x128xf32, #tpu.memory_space<vmem_shared>>
      tpu.enqueue_dma source(%dma_start3A_70 : memref<632x128xf32, #tpu.memory_space<vmem_shared>>) target(%dma_start3A_68 : memref<632x128xf32, #tpu.memory_space<hbm>>) target_semaphore(%run_scoped3A : memref<!tpu.dma_semaphore, #tpu.memory_space<semaphore_mem>>)
      %dma_wait3A = arith.constant 0 : i32
      %dma_wait3A_71 = arith.constant 0 : i32
      %dma_wait3A_72 = tpu.memref_slice %arg6[%arg0, %dma_wait3A, %dma_wait3A_71] : memref<2x10112x128xf32, #tpu.memory_space<hbm>> -> memref<1x10112x128xf32, #tpu.memory_space<hbm>>
      %dma_wait3A_73 = tpu.memref_squeeze %dma_wait3A_72 : memref<1x10112x128xf32, #tpu.memory_space<hbm>> -> memref<10112x128xf32, #tpu.memory_space<hbm>>
      %dma_wait3A_74 = arith.constant 0 : i32
      %dma_wait3A_75 = tpu.memref_slice %dma_wait3A_73[%mul3A_2, %dma_wait3A_74] : memref<10112x128xf32, #tpu.memory_space<hbm>> -> memref<632x128xf32, #tpu.memory_space<hbm>>
      %dma_wait3A_76 = arith.constant 0 : i32
      %dma_wait3A_77 = tpu.memref_slice %arg11[%mul3A_2, %dma_wait3A_76] : memref<10112x128xf32, #tpu.memory_space<vmem_shared>> -> memref<632x128xf32, #tpu.memory_space<vmem_shared>>
      tpu.wait_dma2 semaphore(%run_scoped3A : memref<!tpu.dma_semaphore, #tpu.memory_space<semaphore_mem>>) src(%dma_wait3A_77 : memref<632x128xf32, #tpu.memory_space<vmem_shared>>) dst(%dma_wait3A_75 : memref<632x128xf32, #tpu.memory_space<hbm>>)
      tpu.yield
    }) : () -> ()
    return
  }
}

module attributes {stable_mosaic.version = 14 : i64} {
  func.func @body(%arg0: memref<2x10112x128xf32, #tpu.memory_space<vmem>>, %arg1: memref<128x128xf32, #tpu.memory_space<vmem>>, %arg2: memref<1x128xf32, #tpu.memory_space<vmem>>, %arg3: memref<1x128xf32, #tpu.memory_space<vmem>>, %arg4: memref<1x128xf32, #tpu.memory_space<vmem>>, %arg5: memref<128x128xf32, #tpu.memory_space<vmem>>, %arg6: memref<1x128xf32, #tpu.memory_space<vmem>>, %arg7: memref<1x128xf32, #tpu.memory_space<vmem>>, %arg8: memref<1x128xf32, #tpu.memory_space<vmem>>, %arg9: memref<1x128xf32, #tpu.memory_space<vmem>>, %arg10: memref<1x128xf32, #tpu.memory_space<vmem>>, %arg11: memref<128x128xf32, #tpu.memory_space<vmem>>, %arg12: memref<1x128xf32, #tpu.memory_space<vmem>>, %arg13: memref<10000x128xf32, #tpu.memory_space<vmem>>) attributes {dimension_semantics = [], scalar_prefetch = 0 : i64, scratch_operands = 0 : i64, tpu.core_type = #tpu.core_type<tc>} {
    %get3A = arith.constant 0 : index
    %get3A_0 = arith.constant 0 : index
    %get3A_1 = arith.constant 0 : index
    %get3A_2 = vector.load %arg0[%get3A, %get3A_0, %get3A_1] : memref<2x10112x128xf32, #tpu.memory_space<vmem>>, vector<1x10000x128xf32>
    %get3A_3 = vector.shape_cast %get3A_2 : vector<1x10000x128xf32> to vector<10000x128xf32>
    %get3A_4 = arith.constant 1 : index
    %get3A_5 = arith.constant 0 : index
    %get3A_6 = arith.constant 0 : index
    %get3A_7 = vector.load %arg0[%get3A_4, %get3A_5, %get3A_6] : memref<2x10112x128xf32, #tpu.memory_space<vmem>>, vector<1x10000x128xf32>
    %get3A_8 = vector.shape_cast %get3A_7 : vector<1x10000x128xf32> to vector<10000x128xf32>
    %add3A = arith.addf %get3A_3, %get3A_8 : vector<10000x128xf32>
    %get3A_9 = arith.constant 0 : index
    %get3A_10 = arith.constant 0 : index
    %get3A_11 = vector.load %arg1[%get3A_9, %get3A_10] : memref<128x128xf32, #tpu.memory_space<vmem>>, vector<128x128xf32>
    %dot_general3A = arith.constant dense<0.000000e+00> : vector<10000x128xf32>
    %dot_general3A_12 = tpu.matmul %add3A, %get3A_11, %dot_general3A {dimension_numbers = #tpu.dot_dimension_numbers<[1], [0], [0], [1], [0, 0, 1, 1], [], []>, transpose_lhs_hint = false} : vector<10000x128xf32>, vector<128x128xf32>, vector<10000x128xf32> -> vector<10000x128xf32>
    %get3A_13 = arith.constant 0 : index
    %get3A_14 = arith.constant 0 : index
    %get3A_15 = vector.load %arg2[%get3A_13, %get3A_14] : memref<1x128xf32, #tpu.memory_space<vmem>>, vector<1x128xf32>
    %add3A_16 = vector.broadcast %get3A_15 : vector<1x128xf32> to vector<10000x128xf32>
    %add3A_17 = arith.addf %dot_general3A_12, %add3A_16 : vector<10000x128xf32>
    %get3A_18 = arith.constant 0 : index
    %get3A_19 = arith.constant 0 : index
    %get3A_20 = vector.load %arg3[%get3A_18, %get3A_19] : memref<1x128xf32, #tpu.memory_space<vmem>>, vector<1x128xf32>
    %get3A_21 = arith.constant 0 : index
    %get3A_22 = arith.constant 0 : index
    %get3A_23 = vector.load %arg4[%get3A_21, %get3A_22] : memref<1x128xf32, #tpu.memory_space<vmem>>, vector<1x128xf32>
    %reduce_sum3A = arith.constant dense<0.000000e+00> : vector<128xf32>
    %reduce_sum3A_24 = vector.multi_reduction <add>, %add3A_17, %reduce_sum3A [0] : vector<10000x128xf32> to vector<128xf32>
    %broadcast_in_dim3A = vector.shape_cast %reduce_sum3A_24 : vector<128xf32> to vector<1x128xf32>
    %div3A = arith.constant 1.000000e+04 : f32
    %div3A_25 = vector.broadcast %div3A : f32 to vector<1x128xf32>
    %div3A_26 = arith.divf %broadcast_in_dim3A, %div3A_25 : vector<1x128xf32>
    %sub3A = vector.broadcast %div3A_26 : vector<1x128xf32> to vector<10000x128xf32>
    %sub3A_27 = arith.subf %add3A_17, %sub3A : vector<10000x128xf32>
    %integer_pow3A = arith.mulf %sub3A_27, %sub3A_27 : vector<10000x128xf32>
    %reduce_sum3A_28 = arith.constant dense<0.000000e+00> : vector<128xf32>
    %reduce_sum3A_29 = vector.multi_reduction <add>, %integer_pow3A, %reduce_sum3A_28 [0] : vector<10000x128xf32> to vector<128xf32>
    %broadcast_in_dim3A_30 = vector.shape_cast %reduce_sum3A_29 : vector<128xf32> to vector<1x128xf32>
    %div3A_31 = arith.constant 1.000000e+04 : f32
    %div3A_32 = vector.broadcast %div3A_31 : f32 to vector<1x128xf32>
    %div3A_33 = arith.divf %broadcast_in_dim3A_30, %div3A_32 : vector<1x128xf32>
    %sub3A_34 = vector.broadcast %div3A_26 : vector<1x128xf32> to vector<10000x128xf32>
    %sub3A_35 = arith.subf %add3A_17, %sub3A_34 : vector<10000x128xf32>
    %add3A_36 = arith.constant 9.99999974E-6 : f32
    %add3A_37 = vector.broadcast %add3A_36 : f32 to vector<1x128xf32>
    %add3A_38 = arith.addf %div3A_33, %add3A_37 : vector<1x128xf32>
    %rsqrt3A = math.rsqrt %add3A_38 : vector<1x128xf32>
    %mul3A = vector.broadcast %rsqrt3A : vector<1x128xf32> to vector<10000x128xf32>
    %mul3A_39 = arith.mulf %sub3A_35, %mul3A : vector<10000x128xf32>
    %mul3A_40 = vector.broadcast %get3A_20 : vector<1x128xf32> to vector<10000x128xf32>
    %mul3A_41 = arith.mulf %mul3A_39, %mul3A_40 : vector<10000x128xf32>
    %add3A_42 = vector.broadcast %get3A_23 : vector<1x128xf32> to vector<10000x128xf32>
    %add3A_43 = arith.addf %mul3A_41, %add3A_42 : vector<10000x128xf32>
    %max3A = arith.constant 0.000000e+00 : f32
    %max3A_44 = vector.broadcast %max3A : f32 to vector<10000x128xf32>
    %max3A_45 = arith.maximumf %add3A_43, %max3A_44 : vector<10000x128xf32>
    %get3A_46 = arith.constant 0 : index
    %get3A_47 = arith.constant 0 : index
    %get3A_48 = vector.load %arg5[%get3A_46, %get3A_47] : memref<128x128xf32, #tpu.memory_space<vmem>>, vector<128x128xf32>
    %dot_general3A_49 = arith.constant dense<0.000000e+00> : vector<10000x128xf32>
    %dot_general3A_50 = tpu.matmul %max3A_45, %get3A_48, %dot_general3A_49 {dimension_numbers = #tpu.dot_dimension_numbers<[1], [0], [0], [1], [0, 0, 1, 1], [], []>, transpose_lhs_hint = false} : vector<10000x128xf32>, vector<128x128xf32>, vector<10000x128xf32> -> vector<10000x128xf32>
    %get3A_51 = arith.constant 0 : index
    %get3A_52 = arith.constant 0 : index
    %get3A_53 = vector.load %arg6[%get3A_51, %get3A_52] : memref<1x128xf32, #tpu.memory_space<vmem>>, vector<1x128xf32>
    %add3A_54 = vector.broadcast %get3A_53 : vector<1x128xf32> to vector<10000x128xf32>
    %add3A_55 = arith.addf %dot_general3A_50, %add3A_54 : vector<10000x128xf32>
    %get3A_56 = arith.constant 0 : index
    %get3A_57 = arith.constant 0 : index
    %get3A_58 = vector.load %arg7[%get3A_56, %get3A_57] : memref<1x128xf32, #tpu.memory_space<vmem>>, vector<1x128xf32>
    %get3A_59 = arith.constant 0 : index
    %get3A_60 = arith.constant 0 : index
    %get3A_61 = vector.load %arg8[%get3A_59, %get3A_60] : memref<1x128xf32, #tpu.memory_space<vmem>>, vector<1x128xf32>
    %reduce_sum3A_62 = arith.constant dense<0.000000e+00> : vector<128xf32>
    %reduce_sum3A_63 = vector.multi_reduction <add>, %add3A_55, %reduce_sum3A_62 [0] : vector<10000x128xf32> to vector<128xf32>
    %broadcast_in_dim3A_64 = vector.shape_cast %reduce_sum3A_63 : vector<128xf32> to vector<1x128xf32>
    %div3A_65 = arith.constant 1.000000e+04 : f32
    %div3A_66 = vector.broadcast %div3A_65 : f32 to vector<1x128xf32>
    %div3A_67 = arith.divf %broadcast_in_dim3A_64, %div3A_66 : vector<1x128xf32>
    %sub3A_68 = vector.broadcast %div3A_67 : vector<1x128xf32> to vector<10000x128xf32>
    %sub3A_69 = arith.subf %add3A_55, %sub3A_68 : vector<10000x128xf32>
    %integer_pow3A_70 = arith.mulf %sub3A_69, %sub3A_69 : vector<10000x128xf32>
    %reduce_sum3A_71 = arith.constant dense<0.000000e+00> : vector<128xf32>
    %reduce_sum3A_72 = vector.multi_reduction <add>, %integer_pow3A_70, %reduce_sum3A_71 [0] : vector<10000x128xf32> to vector<128xf32>
    %broadcast_in_dim3A_73 = vector.shape_cast %reduce_sum3A_72 : vector<128xf32> to vector<1x128xf32>
    %div3A_74 = arith.constant 1.000000e+04 : f32
    %div3A_75 = vector.broadcast %div3A_74 : f32 to vector<1x128xf32>
    %div3A_76 = arith.divf %broadcast_in_dim3A_73, %div3A_75 : vector<1x128xf32>
    %sub3A_77 = vector.broadcast %div3A_67 : vector<1x128xf32> to vector<10000x128xf32>
    %sub3A_78 = arith.subf %add3A_55, %sub3A_77 : vector<10000x128xf32>
    %add3A_79 = arith.constant 9.99999974E-6 : f32
    %add3A_80 = vector.broadcast %add3A_79 : f32 to vector<1x128xf32>
    %add3A_81 = arith.addf %div3A_76, %add3A_80 : vector<1x128xf32>
    %rsqrt3A_82 = math.rsqrt %add3A_81 : vector<1x128xf32>
    %mul3A_83 = vector.broadcast %rsqrt3A_82 : vector<1x128xf32> to vector<10000x128xf32>
    %mul3A_84 = arith.mulf %sub3A_78, %mul3A_83 : vector<10000x128xf32>
    %mul3A_85 = vector.broadcast %get3A_58 : vector<1x128xf32> to vector<10000x128xf32>
    %mul3A_86 = arith.mulf %mul3A_84, %mul3A_85 : vector<10000x128xf32>
    %add3A_87 = vector.broadcast %get3A_61 : vector<1x128xf32> to vector<10000x128xf32>
    %add3A_88 = arith.addf %mul3A_86, %add3A_87 : vector<10000x128xf32>
    %get3A_89 = arith.constant 0 : index
    %get3A_90 = arith.constant 0 : index
    %get3A_91 = vector.load %arg9[%get3A_89, %get3A_90] : memref<1x128xf32, #tpu.memory_space<vmem>>, vector<1x128xf32>
    %get3A_92 = arith.constant 0 : index
    %get3A_93 = arith.constant 0 : index
    %get3A_94 = vector.load %arg10[%get3A_92, %get3A_93] : memref<1x128xf32, #tpu.memory_space<vmem>>, vector<1x128xf32>
    %reduce_sum3A_95 = arith.constant dense<0.000000e+00> : vector<128xf32>
    %reduce_sum3A_96 = vector.multi_reduction <add>, %add3A_88, %reduce_sum3A_95 [0] : vector<10000x128xf32> to vector<128xf32>
    %broadcast_in_dim3A_97 = vector.shape_cast %reduce_sum3A_96 : vector<128xf32> to vector<1x128xf32>
    %div3A_98 = arith.constant 1.000000e+04 : f32
    %div3A_99 = vector.broadcast %div3A_98 : f32 to vector<1x128xf32>
    %div3A_100 = arith.divf %broadcast_in_dim3A_97, %div3A_99 : vector<1x128xf32>
    %sub3A_101 = vector.broadcast %div3A_100 : vector<1x128xf32> to vector<10000x128xf32>
    %sub3A_102 = arith.subf %add3A_88, %sub3A_101 : vector<10000x128xf32>
    %integer_pow3A_103 = arith.mulf %sub3A_102, %sub3A_102 : vector<10000x128xf32>
    %reduce_sum3A_104 = arith.constant dense<0.000000e+00> : vector<128xf32>
    %reduce_sum3A_105 = vector.multi_reduction <add>, %integer_pow3A_103, %reduce_sum3A_104 [0] : vector<10000x128xf32> to vector<128xf32>
    %broadcast_in_dim3A_106 = vector.shape_cast %reduce_sum3A_105 : vector<128xf32> to vector<1x128xf32>
    %div3A_107 = arith.constant 1.000000e+04 : f32
    %div3A_108 = vector.broadcast %div3A_107 : f32 to vector<1x128xf32>
    %div3A_109 = arith.divf %broadcast_in_dim3A_106, %div3A_108 : vector<1x128xf32>
    %sub3A_110 = vector.broadcast %div3A_100 : vector<1x128xf32> to vector<10000x128xf32>
    %sub3A_111 = arith.subf %add3A_88, %sub3A_110 : vector<10000x128xf32>
    %add3A_112 = arith.constant 9.99999974E-6 : f32
    %add3A_113 = vector.broadcast %add3A_112 : f32 to vector<1x128xf32>
    %add3A_114 = arith.addf %div3A_109, %add3A_113 : vector<1x128xf32>
    %rsqrt3A_115 = math.rsqrt %add3A_114 : vector<1x128xf32>
    %mul3A_116 = vector.broadcast %rsqrt3A_115 : vector<1x128xf32> to vector<10000x128xf32>
    %mul3A_117 = arith.mulf %sub3A_111, %mul3A_116 : vector<10000x128xf32>
    %mul3A_118 = vector.broadcast %get3A_91 : vector<1x128xf32> to vector<10000x128xf32>
    %mul3A_119 = arith.mulf %mul3A_117, %mul3A_118 : vector<10000x128xf32>
    %add3A_120 = vector.broadcast %get3A_94 : vector<1x128xf32> to vector<10000x128xf32>
    %add3A_121 = arith.addf %mul3A_119, %add3A_120 : vector<10000x128xf32>
    %max3A_122 = arith.constant 0.000000e+00 : f32
    %max3A_123 = vector.broadcast %max3A_122 : f32 to vector<10000x128xf32>
    %max3A_124 = arith.maximumf %add3A_121, %max3A_123 : vector<10000x128xf32>
    %get3A_125 = arith.constant 0 : index
    %get3A_126 = arith.constant 0 : index
    %get3A_127 = vector.load %arg11[%get3A_125, %get3A_126] : memref<128x128xf32, #tpu.memory_space<vmem>>, vector<128x128xf32>
    %dot_general3A_128 = arith.constant dense<0.000000e+00> : vector<10000x128xf32>
    %dot_general3A_129 = tpu.matmul %max3A_124, %get3A_127, %dot_general3A_128 {dimension_numbers = #tpu.dot_dimension_numbers<[1], [0], [0], [1], [0, 0, 1, 1], [], []>, transpose_lhs_hint = false} : vector<10000x128xf32>, vector<128x128xf32>, vector<10000x128xf32> -> vector<10000x128xf32>
    %get3A_130 = arith.constant 0 : index
    %get3A_131 = arith.constant 0 : index
    %get3A_132 = vector.load %arg12[%get3A_130, %get3A_131] : memref<1x128xf32, #tpu.memory_space<vmem>>, vector<1x128xf32>
    %add3A_133 = vector.broadcast %get3A_132 : vector<1x128xf32> to vector<10000x128xf32>
    %add3A_134 = arith.addf %dot_general3A_129, %add3A_133 : vector<10000x128xf32>
    %swap3A = arith.constant 0 : index
    %swap3A_135 = arith.constant 0 : index
    %swap3A_136 = vector.load %arg13[%swap3A, %swap3A_135] : memref<10000x128xf32, #tpu.memory_space<vmem>>, vector<10000x128xf32>
    tpu.vector_store %arg13[%swap3A, %swap3A_135], %add3A_134 {strides = array<i32>} : memref<10000x128xf32, #tpu.memory_space<vmem>>, vector<10000x128xf32>,
    return
  }
}

</mosaic_0001>

<sc_bundles>
// kernel: kernel.4.cloned.1.call-start
scs
__scs_entry_jumppad:
0x0: {  	(pc) =	sbr.rel $0x88, $3  }
0x1: {  	(tag) =	ssettag $0x0;
	lr =	simm.s32 $0x1  }
0x2: {  	[smem:$0x3F93] =	sst lr;
	_ =	strace $0xD0000000  }
0x3: {  	_ = 	snop  }
0x4: {  	_ = 	snop  }
0x5: {  	_ = 	snop  }
0x6: {  	_ = 	snop  }
0x7: {  	_ = 	snop  }
__scs_overlays_trampoline_lowered:
0x8: {  	[smem:$0x3FA2] =	sst s0  }
0x9: {  	[smem:$0x3FA3] =	sst s1  }
0xa: {  	[smem:$0x3FA4] =	sst s2  }
0xb: {  	[smem:$0x3FA5] =	sst s3  }
0xc: {  	[smem:$0x3FA6] =	sst s4  }
0xd: {  	[smem:$0x3FA7] =	sst s5  }
0xe: {  	[smem:$0x3FA8] =	sst s6  }
0xf: {  	[smem:$0x3FA9] =	sst s7  }
0x10: {  	[smem:$0x3FAA] =	sst s8  }
0x11: {  	[smem:$0x3FAB] =	sst s9;
	s0 =	simm.s32 @!p0 $0x0  }
0x12: {  	s1 =	sld [smem:$0x3F91];
	s0 =	simm.s32 @p0 $0x1  }
0x13: {  	[smem:$0x3FAC] =	sst s0;
	s0 =	simm.s32 @!p1 $0x0  }
0x14: {  	s2 =	sld [smem:$0x3F90];
	s0 =	simm.s32 @p1 $0x1  }
0x15: {  	[smem:$0x3FAD] =	sst s0;
	s0 =	simm.s32 @!p2 $0x0  }
0x16: {  	s3 =	sld [smem:$0x3FDB];
	s0 =	simm.s32 @p2 $0x1  }
0x17: {  	s4 =	simm.s32 $0x1BF5;
	[smem:$0x3FAF] =	sst s0  }
0x18: {  	s0 =	sld [smem:$0x3F92];
	_ =	swait.ge [sflag:s4], $0x0  }
0x19: {  	s7 =	sld [smem:$0x3F93]  }
0x1a: {  	s8 =	sadd.s32 $0xFFFFE003, lr  }
0x1b: {  	s9 =	sadd.s32 $0xFFFFFEF7, lr;
	s5 =	simm.s32 $0xFFFFFFFF;
	p2 =	slt.u32 s8, $0xFFFFF086  }
0x1c: {  	p1 =	slt.u32 s9, $0xF7A;
	s5 =	simm.s32 @!p2 $0x0  }
0x1d: {  	s5 =	simm.s32 @p1 $0x1;
	p0 =	seq.s32 s7, s2  }
0x1e: {  	s7 =	smul.u32 @!p0 $0xF7A, s2;
	p2 =	seq.s32 @!p0 s5, $0x0  }
0x1f: {  	s9 =	smul.u32 $0xF7A, s1;
	s8 =	simm.s32 @!p0 $0x1BF5;
	p2 =	por !p2, p0  }
0x20: {  	[sflag:s8] =	ssyncset.s32 @!p0 $0xFFFFF086;
	s6 =	sadd.s32 @!p0 s3, s7;
	s7 =	simm.s32 @!p0 $0x108  }
0x21: {  	s3 =	sadd.s32 s3, s9;
	s6 =	sadd.s32 @!p0 $0x88, s6;
	s7 =	simm.s32 @p2 $0x1082  }
0x22: {  	[simem:s7], [sflag:s8] =	dma.local @!p0 [hbm:s6], $0xF7A  }
0x23: {  	s9 =	sor.u32 $0xD0000000, s2;
	s6 =	simm.s32 $0x108;
	_ =	swait.ge @!p0 [sflag:s8], $0x0  }
0x24: {  	s3 =	sadd.s32 $0x88, s3;
	s6 =	simm.s32 @!p1 $0x1082;
	[sflag:s4] =	ssyncset.s32 $0xFFFFF086  }
0x25: {  	[simem:s6], [sflag:s4] =	dma.local [hbm:s3], $0xF7A  }
0x26: {  	[smem:$0x3F93] =	sst s1;
	(tag) =	ssettag s2;
	_ =	strace s9  }
0x27: {  	s1 =	sld [smem:$0x3FA3]  }
0x28: {  	s2 =	sld [smem:$0x3FA4]  }
0x29: {  	s4 =	sld [smem:$0x3FA6]  }
0x2a: {  	p0 =	seq.s32 s5, $0x0;
	s5 =	sld [smem:$0x3FA7]  }
0x2b: {  	s6 =	sld [smem:$0x3FA8]  }
0x2c: {  	s7 =	sld [smem:$0x3FA9]  }
0x2d: {  	s3 =	simm.s32 $0x108;
	s8 =	sld [smem:$0x3FAA]  }
0x2e: {  	s3 =	simm.s32 @!p0 $0x1082;
	s9 =	sld [smem:$0x3FAB]  }
0x2f: {  	lr =	sadd.s32 s0, s3;
	s0 =	sld [smem:$0x3FA2]  }
0x30: {  	s3 =	sld [smem:$0x3FA5]  }
0x31: {  	[smem:$0x3FAE] =	sst s10  }
0x32: {  	s10 =	sld [smem:$0x3FAC];
	_ =	sdelay $0x3  }
0x33: {  	p0 =	seq.s32 s10, $0x1;
	s10 =	sld [smem:$0x3FAE];
	_ =	sdelay $0x3  }
0x34: {  	[smem:$0x3FAE] =	sst s10  }
0x35: {  	s10 =	sld [smem:$0x3FAD];
	_ =	sdelay $0x3  }
0x36: {  	p1 =	seq.s32 s10, $0x1;
	s10 =	sld [smem:$0x3FAE];
	_ =	sdelay $0x3  }
0x37: {  	[smem:$0x3FAE] =	sst s10  }
0x38: {  	s10 =	sld [smem:$0x3FAF]  }
0x39: {  	_ = 	snop;
	(pc) =	sbr.ind lr, $3  }
0x3a: {  	_ = 	snop  }
0x3b: {  	_ = 	snop  }
0x3c: {  	p2 =	seq.s32 s10, $0x1;
	s10 =	sld [smem:$0x3FAE]  }
0x3d: {  	_ =	shalt  }
0x3e: {  	_ =	shalt  }
0x3f: {  	_ =	shalt  }
0x40: {  	_ =	shalt  }
0x41: {  	_ =	shalt  }
0x42: {  	_ =	shalt  }
0x43: {  	_ =	shalt  }
0x44: {  	_ =	shalt  }
0x45: {  	_ =	shalt  }
0x46: {  	_ =	shalt  }
0x47: {  	_ =	shalt  }
0x48: {  	_ =	shalt  }
0x49: {  	_ =	shalt  }
0x4a: {  	_ =	shalt  }
0x4b: {  	_ =	shalt  }
0x4c: {  	_ =	shalt  }
0x4d: {  	_ =	shalt  }
0x4e: {  	_ =	shalt  }
0x4f: {  	_ =	shalt  }
0x50: {  	_ =	shalt  }
0x51: {  	_ =	shalt  }
0x52: {  	_ =	shalt  }
0x53: {  	_ =	shalt  }
0x54: {  	_ =	shalt  }
0x55: {  	_ =	shalt  }
0x56: {  	_ =	shalt  }
0x57: {  	_ =	shalt  }
0x58: {  	_ =	shalt  }
0x59: {  	_ =	shalt  }
0x5a: {  	_ =	shalt  }
0x5b: {  	_ =	shalt  }
0x5c: {  	_ =	shalt  }
0x5d: {  	_ =	shalt  }
0x5e: {  	_ =	shalt  }
0x5f: {  	_ =	shalt  }
0x60: {  	_ =	shalt  }
0x61: {  	_ =	shalt  }
0x62: {  	_ =	shalt  }
0x63: {  	_ =	shalt  }
0x64: {  	_ =	shalt  }
0x65: {  	_ =	shalt  }
0x66: {  	_ =	shalt  }
0x67: {  	_ =	shalt  }
0x68: {  	_ =	shalt  }
0x69: {  	_ =	shalt  }
0x6a: {  	_ =	shalt  }
0x6b: {  	_ =	shalt  }
0x6c: {  	_ =	shalt  }
0x6d: {  	_ =	shalt  }
0x6e: {  	_ =	shalt  }
0x6f: {  	_ =	shalt  }
0x70: {  	_ =	shalt  }
0x71: {  	_ =	shalt  }
0x72: {  	_ =	shalt  }
0x73: {  	_ =	shalt  }
0x74: {  	_ =	shalt  }
0x75: {  	_ =	shalt  }
0x76: {  	_ =	shalt  }
0x77: {  	_ =	shalt  }
0x78: {  	_ =	shalt  }
0x79: {  	_ =	shalt  }
0x7a: {  	_ =	shalt  }
0x7b: {  	_ =	shalt  }
0x7c: {  	_ =	shalt  }
0x7d: {  	_ =	shalt  }
0x7e: {  	_ =	shalt  }
0x7f: {  	_ =	shalt  }
0x80: {  	_ =	shalt  }
0x81: {  	_ =	shalt  }
0x82: {  	_ =	shalt  }
0x83: {  	_ =	shalt  }
0x84: {  	_ =	shalt  }
0x85: {  	_ =	shalt  }
0x86: {  	_ =	shalt  }
0x87: {  	_ =	shalt  }
.Lfunc_end0:
.L_simem_size_0:
called_computation_lowered:
.L_overlay_start_0:
0x88: {  	s2 =	sld [smem:$0x3FD9]  }
0x89: {  	s3 =	sld [smem:$0x3FFE];
	_ =	sdelay $0x1  }
0x8a: {  	s1 =	srdreg.scid  }
0x8b: {  	s0 =	sand.u32 $0x1, s1  }
0x8c: {  	s17 =	sshll.u32 s0, $0xA;
	s2 =	sadd.s32 s3, s2  }
0x8d: {  	s2 =	sadd.s32 s2, s17  }
0x8e: {  	[smem:$0x3FBA] =	sst s2  }
0x8f: {  	_ = 	snop  }
0x90: {  	s2 =	sld [smem:$0x3FC9]  }
0x91: {  	s18 =	sld [smem:$0x3FD0];
	(tm) =	ssettm $0x1  }
0x92: {  	s4 =	sld [smem:$0x3FFB];
	_ =	sdelay $0x3  }
0x93: {  	_ =	strace s4  }
0x94: {  	s4 =	sld [smem:$0x3FFC];
	_ =	sdelay $0x3  }
0x95: {  	_ =	strace s4  }
0x96: {  	s4 =	sld [smem:$0x3FFD];
	_ =	sdelay $0x3  }
0x97: {  	_ =	strace s4  }
0x98: {  	_ =	strace $0x8FFFFFFF  }
0x99: {  	s19 =	sld [smem:$0x3FDB];
	_ =	sdelay $0x1  }
0x9a: {  	s5 =	simm.s32 $_scs_section_size  }
0x9b: {  	s6 =	simm.s32 $_size__tile_overlayer_lowered;
	s7 =	simm.s32 $_tile_overlayer_lowered  }
0x9c: {  	s22 =	simm.s32 $0x1BFF;
	s21 =	sshll.u32 s7, $0x1;
	s4 =	sadd.s32 s5, s19  }
0x9d: {  	s8 =	simm.s32 $0x0;
	s20 =	sshll.u32 s6, $0x1;
	s6 =	sadd.s32 s21, s4  }
0x9e: {  	[timem:s8], [sflag:s22] =	dma.local [hbm:s6], s20  }
0x9f: {  	_ =	swait.ge [sflag:s22], s20  }
0xa0: {  	s5 =	ssub.s32 $0x0, s20;
	[sflag:s22] =	ssyncset.done $0x0  }
0xa1: {  	[sflag:s22] =	ssyncadd.s32 s5;
	_ =	sdelay $0x1  }
0xa2: {  	s23 =	simm.s32 $0x1B8B  }
0xa3: {  	_ =	swait.ge [sflag:s23], $0x1  }
0xa4: {  	[sflag:s23] =	ssyncset.done $0x0  }
0xa5: {  	s25 =	simm.s32 $0x1B8E;
	s24 =	sld [smem:$0x3FFE];
	[sflag:s23] =	ssyncadd.s32 $0xFFFFFFFF  }
0xa6: {  	s26 =	simm.s32 $execute0_lowered;
	[smem:$0x3FD2] =	sst s25  }
0xa7: {  	s6 =	sshll.u32 s26, $0x1;
	_ =	strace $0x80000046;
	[dreg:$0x1] =	wrdreg $0xFFFFFFFF  }
0xa8: {  	s28 =	simm.s32 $_size_execute0_lowered;
	s4 =	sadd.s32 s4, s6;
	[dreg:$0x0] =	wrdreg $0x0  }
0xa9: {  	s6 =	sshll.u32 s28, $0x1;
	[dreg:$0x2] =	wrdreg s4  }
0xaa: {  	[dreg:$0x3] =	wrdreg s6  }
0xab: {  	[dreg:$0x4] =	wrdreg $0xC0  }
0xac: {  	_ =	task [dreg:s8], $0x5FFFF  }
0xad: {  	[dreg:$0x1] =	wrdreg $0xFFFFFFFF  }
0xae: {  	[dreg:$0x0] =	wrdreg $0x60  }
0xaf: {  	[dreg:$0x2] =	wrdreg s2  }
0xb0: {  	[dreg:$0x3] =	wrdreg s24  }
0xb1: {  	[dreg:$0x4] =	wrdreg s18  }
0xb2: {  	[dreg:$0x5] =	wrdreg $0xB0000  }
0xb3: {  	[dreg:$0x6] =	wrdreg $0x9  }
0xb4: {  	_ =	task.clear_ibuf [dreg:s8], $0x7FFFF;
	_ =	strace $0x90000046  }
0xb5: {  	s29 =	simm.s32 $0x9;
	_ =	strace $0x80000048  }
0xb6: {  	_ =	swait.ge [sflag:s29], $0x1  }
0xb7: {  	[sflag:s29] =	ssyncadd.s32 $0xFFFFFFFF  }
0xb8: {  	_ =	strace $0x90000048  }
0xb9: {  	_ =	sfence  }
0xba: {  	s30 =	sld [smem:$0x0];
	_ =	sdelay $0x2  }
0xbb: {  	s31 =	sshll.u32 s1, $0xD;
	s1 =	sshrl.u32 s1, $0x2  }
0xbc: {  	s3 =	sand.u32 $0x4000, s31;
	s1 =	sadd.s32 s1, s30  }
0xbd: {  	s0 =	sor.u32 s3, s0;
	s1 =	sshll.u32 s1, $0x11  }
0xbe: {  	s0 =	sor.u32 s1, s0  }
0xbf: {  	s0 =	sadd.s32 $0x8F2B, s0  }
0xc0: {  	[sflag:s0] =	ssyncadd.remote.s32 $0x1  }
0xc1: {  	_ =	sfence.sel $0xFFFF  }
0xc2: {  	[dreg:$0x0] =	wrdreg $0xFFFFFFFF;
	(pc) =	sbr.abs _section_cstart, $3  }
0xc3: {  	[dreg:$0x1] =	wrdreg $0xFFFFFFFF  }
0xc4: {  	_ =	task.clear_ibuf [dreg:s8], $0x2FFFF;
	_ =	strace $0x9FFFFFFF  }
0xc5: {  	(tm) =	ssettm $0x7FFFFFFF  }
tec
execute0_lowered:
.L_overlay_start_1:
0x0: {  	(tag) =	ssettag $0x1  }
0x1: {  	s0 =	rddreg [dreg:$0x0]  }
0x2: {  	s2 =	rddreg [dreg:$0x1]  }
0x3: {  	s1 =	srdreg.scid;
	s5 =	rddreg [dreg:$0x2]  }
0x4: {  	s12 =	stileid.u32;
	s3 =	rddreg [dreg:$0x3];
	s15 =	simm.s32 $0x3  }
0x5: {  	s16 =	simm.s32 $0xC00;
	s17 =	simm.s32 $0x2400;
	s18 =	simm.s32 $0x80  }
0x6: {  	s19 =	simm.s32 $0x3000;
	s20 =	simm.s32 $0x7000;
	s21 =	simm.s32 $0x1  }
0x7: {  	s22 =	simm.s32 $0x1300;
	s28 =	simm.s32 $0x2A80;
	s29 =	simm.s32 $0x1380  }
0x8: {  	s30 =	simm.s32 $0x2B00;
	s31 =	simm.s32 $0x1400;
	s6 =	smul.u32 $0x2780, s12  }
0x9: {  	s1 =	sand.u32 $0x1, s1;
	s9 =	smul.u32 $0x4F000, s12;
	s24 =	sshll.u32 s12, $0x6  }
0xa: {  	s4 =	sshll.u32 s1, $0x4;
	s8 =	smul.u32 $0x27800, s1;
	s1 =	ssub.s32 $0x2, s1  }
0xb: {  	s26 =	sor.u32 $0x1C04, s24;
	s24 =	simm.s32 $0x1580;
	s7 =	sor.u32 s12, s4  }
0xc: {  	s4 =	simm.s32 $0x0;
	s10 =	sadd.s32 s6, s2;
	s23 =	sshrl.u32 s1, $0x1  }
0xd: {  	s9 =	sshrl.u32 s9, $0x2;
	s7 =	smul.u32 $0x600, s7;
	[smem:$0x7FF] =	sst s4  }
0xe: {  	s1 =	ssub.s32 s1, s23;
	s9 =	sadd.s32 s9, s3;
	s10 =	sadd.s32 $0xE000, s10  }
0xf: {  	s23 =	simm.s32 $0x2;
	_ =	strace $0x80000047;
	[dreg:$0x5] =	wrdreg s10  }
0x10: {  	s1 =	smax.u32 s1, $0x1;
	s12 =	sshrl.u32 s9, $0x3;
	[dreg:$0x6] =	wrdreg s26  }
0x11: {  	s9 =	simm.s32 $0x1500;
	s10 =	simm.s32 $0x2D80;
	s11 =	sadd.s32 s7, s2  }
0x12: {  	s2 =	sadd.s32 s8, s2;
	s7 =	sadd.s32 s5, s7;
	[dreg:$0x7] =	wrdreg s1  }
0x13: {  	s1 =	simm.s32 $0x0;
	[dreg:$0x8] =	wrdreg s12;
	s5 =	simm.s32 $0x2C00  }
0x14: {  	s8 =	sadd.s32 $0x2000, s11;
	s2 =	sadd.s32 $0x35800, s2;
	s11 =	simm.s32 $0x4  }
0x15: {  	s13 =	sadd.s32 $0x300, s7;
	s14 =	sadd.s32 $0x300, s8;
	s25 =	sadd.s32 s6, s2  }
0x16: {  	s2 =	simm.s32 $0x2B80;
	s6 =	simm.s32 $0x2D00;
	[dreg:$0x9] =	wrdreg s25  }
.LBB2_1:
0x17: {  	[dreg:$0xa] =	wrdreg s1  }
0x18: {  	s25 =	rddreg [dreg:$0x5]  }
0x19: {  	[spmem:s12], [sflag:s26] =	dma.local [hbm:s25], $0x2780  }
0x1a: {  	_ =	swait.ge [sflag:s11], $0x2780  }
0x1b: {  	[sflag:s11] =	ssyncset.done $0x0  }
0x1c: {  	[sflag:s11] =	ssyncadd.s32 $0xFFFFD880  }
0x1d: {  	[tilespmem:s4], [sflag:$0x3] =	stream.linear.gather [hbm4b:s7+s4], $0xA00, $0x38;
	[tilespmem:$0x1EC00] =	vst v63  }
0x1e: {  	p0 =	por $0x1, $0x1;
	s1 =	simm.s32 $0x1480;
	s26 =	simm.s32 $0x1800  }
0x1f: {  	[tilespmem:s26], [sflag:$0x3] =	stream.linear.gather [hbm4b:s8+s4], $0xA00, $0x38;
	[tilespmem:$0x1EC00] =	vst v63  }
0x20: {  	s25 =	simm.s32 $0x180;
	s12 =	simm.s32 $0x2C80;
	[bflag:$0x0] =	sbarrier.arrive $0xFFFF  }
.LBB2_2:
0x21: {  	_ =	swait.ge [sflag:s15], $0xA00  }
0x22: {  	[sflag:s15] =	ssyncset.done $0x0  }
0x23: {  	[sflag:s15] =	ssyncadd.s32 $0xFFFFF600  }
0x24: {  	_ =	swait.ge [sflag:s15], $0xA00  }
0x25: {  	[sflag:s15] =	ssyncset.done $0x0  }
0x26: {  	s26 =	sadd.s32 s7, s25;
	[sflag:s15] =	ssyncadd.s32 $0xFFFFF600  }
0x27: {  	[tilespmem:s16], [sflag:$0x3] =	stream.linear.gather [hbm4b:s26+s4], $0xA00, $0x38;
	[tilespmem:$0x1EC00] =	vst v63  }
0x28: {  	s26 =	sadd.s32 s8, s25  }
0x29: {  	[tilespmem:s17], [sflag:$0x3] =	stream.linear.gather [hbm4b:s26+s4], $0xA00, $0x38;
	[tilespmem:$0x1EC00] =	vst v63  }
0x2a: {  	_ = 	snop  }
0x2b: {  	[tilespmem:s19], [sflag:$0x1] =	stream.indirect.gather [hbm4b:s0+s18], $0x80, s4, s18, $0xb8;
	[tilespmem:$0x1EC00] =	vst v63  }
0x2c: {  	_ = 	snop  }
0x2d: {  	[tilespmem:s20], [sflag:$0x2] =	stream.indirect.gather [hbm4b:s0+s18], $0x80, s18, s18, $0xb8;
	[tilespmem:$0x1EC00] =	vst v63  }
0x2e: {  	_ =	swait.ge [sflag:s21], $0x4000  }
0x2f: {  	[sflag:s21] =	ssyncset.done $0x0  }
0x30: {  	s26 =	simm.s32 $0x1800;
	[sflag:s21] =	ssyncadd.s32 $0xFFFFC000  }
0x31: {  	[spmem:s3] =	stream.indirect.scatter.add.f32 [tilespmem:s19], [sflag:$0x4], $0x80, s26, s18, $0xb8;
	[tilespmem:$0x1EC00] =	vst v63  }
0x32: {  	_ =	swait.ge [sflag:s11], $0x4000  }
0x33: {  	[sflag:s11] =	ssyncset.done $0x0  }
0x34: {  	s26 =	simm.s32 $0x100;
	[sflag:s11] =	ssyncadd.s32 $0xFFFFC000  }
0x35: {  	[tilespmem:s19], [sflag:$0x1] =	stream.indirect.gather [hbm4b:s0+s18], $0x80, s26, s18, $0xb8;
	[tilespmem:$0x1EC00] =	vst v63  }
0x36: {  	_ =	swait.ge [sflag:s23], $0x4000  }
0x37: {  	[sflag:s23] =	ssyncset.done $0x0  }
0x38: {  	s26 =	simm.s32 $0x1880;
	[sflag:s23] =	ssyncadd.s32 $0xFFFFC000  }
0x39: {  	[spmem:s3] =	stream.indirect.scatter.add.f32 [tilespmem:s20], [sflag:$0x4], $0x80, s26, s18, $0xb8;
	[tilespmem:$0x1EC00] =	vst v63  }
0x3a: {  	_ =	swait.ge [sflag:s11], $0x4000  }
0x3b: {  	[sflag:s11] =	ssyncset.done $0x0  }
0x3c: {  	s26 =	simm.s32 $0x180;
	[sflag:s11] =	ssyncadd.s32 $0xFFFFC000  }
0x3d: {  	[tilespmem:s20], [sflag:$0x2] =	stream.indirect.gather [hbm4b:s0+s18], $0x80, s26, s18, $0xb8;
	[tilespmem:$0x1EC00] =	vst v63  }
0x3e: {  	_ =	swait.ge [sflag:s21], $0x4000  }
0x3f: {  	[sflag:s21] =	ssyncset.done $0x0  }
0x40: {  	s26 =	simm.s32 $0x1900;
	[sflag:s21] =	ssyncadd.s32 $0xFFFFC000  }
0x41: {  	[spmem:s3] =	stream.indirect.scatter.add.f32 [tilespmem:s19], [sflag:$0x4], $0x80, s26, s18, $0xb8;
	[tilespmem:$0x1EC00] =	vst v63  }
0x42: {  	_ =	swait.ge [sflag:s11], $0x4000  }
0x43: {  	[sflag:s11] =	ssyncset.done $0x0  }
0x44: {  	s26 =	simm.s32 $0x200;
	[sflag:s11] =	ssyncadd.s32 $0xFFFFC000  }
0x45: {  	[tilespmem:s19], [sflag:$0x1] =	stream.indirect.gather [hbm4b:s0+s18], $0x80, s26, s18, $0xb8;
	[tilespmem:$0x1EC00] =	vst v63  }
0x46: {  	_ =	swait.ge [sflag:s23], $0x4000  }
0x47: {  	[sflag:s23] =	ssyncset.done $0x0  }
0x48: {  	s26 =	simm.s32 $0x1980;
	[sflag:s23] =	ssyncadd.s32 $0xFFFFC000  }
0x49: {  	[spmem:s3] =	stream.indirect.scatter.add.f32 [tilespmem:s20], [sflag:$0x4], $0x80, s26, s18, $0xb8;
	[tilespmem:$0x1EC00] =	vst v63  }
0x4a: {  	_ =	swait.ge [sflag:s11], $0x4000  }
0x4b: {  	[sflag:s11] =	ssyncset.done $0x0  }
0x4c: {  	s26 =	simm.s32 $0x280;
	[sflag:s11] =	ssyncadd.s32 $0xFFFFC000  }
0x4d: {  	[tilespmem:s20], [sflag:$0x2] =	stream.indirect.gather [hbm4b:s0+s18], $0x80, s26, s18, $0xb8;
	[tilespmem:$0x1EC00] =	vst v63  }
0x4e: {  	_ =	swait.ge [sflag:s21], $0x4000  }
0x4f: {  	[sflag:s21] =	ssyncset.done $0x0  }
0x50: {  	s26 =	simm.s32 $0x1A00;
	[sflag:s21] =	ssyncadd.s32 $0xFFFFC000  }
0x51: {  	[spmem:s3] =	stream.indirect.scatter.add.f32 [tilespmem:s19], [sflag:$0x4], $0x80, s26, s18, $0xb8;
	[tilespmem:$0x1EC00] =	vst v63  }
0x52: {  	_ =	swait.ge [sflag:s11], $0x4000  }
0x53: {  	[sflag:s11] =	ssyncset.done $0x0  }
0x54: {  	s26 =	simm.s32 $0x300;
	[sflag:s11] =	ssyncadd.s32 $0xFFFFC000  }
0x55: {  	[tilespmem:s19], [sflag:$0x1] =	stream.indirect.gather [hbm4b:s0+s18], $0x80, s26, s18, $0xb8;
	[tilespmem:$0x1EC00] =	vst v63  }
0x56: {  	_ =	swait.ge [sflag:s23], $0x4000  }
0x57: {  	[sflag:s23] =	ssyncset.done $0x0  }
0x58: {  	s26 =	simm.s32 $0x1A80;
	[sflag:s23] =	ssyncadd.s32 $0xFFFFC000  }
0x59: {  	[spmem:s3] =	stream.indirect.scatter.add.f32 [tilespmem:s20], [sflag:$0x4], $0x80, s26, s18, $0xb8;
	[tilespmem:$0x1EC00] =	vst v63  }
0x5a: {  	_ =	swait.ge [sflag:s11], $0x4000  }
0x5b: {  	[sflag:s11] =	ssyncset.done $0x0  }
0x5c: {  	s26 =	simm.s32 $0x380;
	[sflag:s11] =	ssyncadd.s32 $0xFFFFC000  }
0x5d: {  	[tilespmem:s20], [sflag:$0x2] =	stream.indirect.gather [hbm4b:s0+s18], $0x80, s26, s18, $0xb8;
	[tilespmem:$0x1EC00] =	vst v63  }
0x5e: {  	_ =	swait.ge [sflag:s21], $0x4000  }
0x5f: {  	[sflag:s21] =	ssyncset.done $0x0  }
0x60: {  	s26 =	simm.s32 $0x1B00;
	[sflag:s21] =	ssyncadd.s32 $0xFFFFC000  }
0x61: {  	[spmem:s3] =	stream.indirect.scatter.add.f32 [tilespmem:s19], [sflag:$0x4], $0x80, s26, s18, $0xb8;
	[tilespmem:$0x1EC00] =	vst v63  }
0x62: {  	_ =	swait.ge [sflag:s11], $0x4000  }
0x63: {  	[sflag:s11] =	ssyncset.done $0x0  }
0x64: {  	s26 =	simm.s32 $0x400;
	[sflag:s11] =	ssyncadd.s32 $0xFFFFC000  }
0x65: {  	[tilespmem:s19], [sflag:$0x1] =	stream.indirect.gather [hbm4b:s0+s18], $0x80, s26, s18, $0xb8;
	[tilespmem:$0x1EC00] =	vst v63  }
0x66: {  	_ =	swait.ge [sflag:s23], $0x4000  }
0x67: {  	[sflag:s23] =	ssyncset.done $0x0  }
0x68: {  	s26 =	simm.s32 $0x1B80;
	[sflag:s23] =	ssyncadd.s32 $0xFFFFC000  }
0x69: {  	[spmem:s3] =	stream.indirect.scatter.add.f32 [tilespmem:s20], [sflag:$0x4], $0x80, s26, s18, $0xb8;
	[tilespmem:$0x1EC00] =	vst v63  }
0x6a: {  	_ =	swait.ge [sflag:s11], $0x4000  }
0x6b: {  	[sflag:s11] =	ssyncset.done $0x0  }
0x6c: {  	s26 =	simm.s32 $0x480;
	[sflag:s11] =	ssyncadd.s32 $0xFFFFC000  }
0x6d: {  	[tilespmem:s20], [sflag:$0x2] =	stream.indirect.gather [hbm4b:s0+s18], $0x80, s26, s18, $0xb8;
	[tilespmem:$0x1EC00] =	vst v63  }
0x6e: {  	_ =	swait.ge [sflag:s21], $0x4000  }
0x6f: {  	[sflag:s21] =	ssyncset.done $0x0  }
0x70: {  	s26 =	simm.s32 $0x1C00;
	[sflag:s21] =	ssyncadd.s32 $0xFFFFC000  }
0x71: {  	[spmem:s3] =	stream.indirect.scatter.add.f32 [tilespmem:s19], [sflag:$0x4], $0x80, s26, s18, $0xb8;
	[tilespmem:$0x1EC00] =	vst v63  }
0x72: {  	_ =	swait.ge [sflag:s11], $0x4000  }
0x73: {  	[sflag:s11] =	ssyncset.done $0x0  }
0x74: {  	s26 =	simm.s32 $0x500;
	[sflag:s11] =	ssyncadd.s32 $0xFFFFC000  }
0x75: {  	[tilespmem:s19], [sflag:$0x1] =	stream.indirect.gather [hbm4b:s0+s18], $0x80, s26, s18, $0xb8;
	[tilespmem:$0x1EC00] =	vst v63  }
0x76: {  	_ =	swait.ge [sflag:s23], $0x4000  }
0x77: {  	[sflag:s23] =	ssyncset.done $0x0  }
0x78: {  	s26 =	simm.s32 $0x1C80;
	[sflag:s23] =	ssyncadd.s32 $0xFFFFC000  }
0x79: {  	[spmem:s3] =	stream.indirect.scatter.add.f32 [tilespmem:s20], [sflag:$0x4], $0x80, s26, s18, $0xb8;
	[tilespmem:$0x1EC00] =	vst v63  }
0x7a: {  	_ =	swait.ge [sflag:s11], $0x4000  }
0x7b: {  	[sflag:s11] =	ssyncset.done $0x0  }
0x7c: {  	s26 =	simm.s32 $0x580;
	[sflag:s11] =	ssyncadd.s32 $0xFFFFC000  }
0x7d: {  	[tilespmem:s20], [sflag:$0x2] =	stream.indirect.gather [hbm4b:s0+s18], $0x80, s26, s18, $0xb8;
	[tilespmem:$0x1EC00] =	vst v63  }
0x7e: {  	_ =	swait.ge [sflag:s21], $0x4000  }
0x7f: {  	[sflag:s21] =	ssyncset.done $0x0  }
0x80: {  	s26 =	simm.s32 $0x1D00;
	[sflag:s21] =	ssyncadd.s32 $0xFFFFC000  }
0x81: {  	[spmem:s3] =	stream.indirect.scatter.add.f32 [tilespmem:s19], [sflag:$0x4], $0x80, s26, s18, $0xb8;
	[tilespmem:$0x1EC00] =	vst v63  }
0x82: {  	_ =	swait.ge [sflag:s11], $0x4000  }
0x83: {  	[sflag:s11] =	ssyncset.done $0x0  }
0x84: {  	s26 =	simm.s32 $0x600;
	[sflag:s11] =	ssyncadd.s32 $0xFFFFC000  }
0x85: {  	[tilespmem:s19], [sflag:$0x1] =	stream.indirect.gather [hbm4b:s0+s18], $0x80, s26, s18, $0xb8;
	[tilespmem:$0x1EC00] =	vst v63  }
0x86: {  	_ =	swait.ge [sflag:s23], $0x4000  }
0x87: {  	[sflag:s23] =	ssyncset.done $0x0  }
0x88: {  	s26 =	simm.s32 $0x1D80;
	[sflag:s23] =	ssyncadd.s32 $0xFFFFC000  }
0x89: {  	[spmem:s3] =	stream.indirect.scatter.add.f32 [tilespmem:s20], [sflag:$0x4], $0x80, s26, s18, $0xb8;
	[tilespmem:$0x1EC00] =	vst v63  }
0x8a: {  	_ =	swait.ge [sflag:s11], $0x4000  }
0x8b: {  	[sflag:s11] =	ssyncset.done $0x0  }
0x8c: {  	s26 =	simm.s32 $0x680;
	[sflag:s11] =	ssyncadd.s32 $0xFFFFC000  }
0x8d: {  	[tilespmem:s20], [sflag:$0x2] =	stream.indirect.gather [hbm4b:s0+s18], $0x80, s26, s18, $0xb8;
	[tilespmem:$0x1EC00] =	vst v63  }
0x8e: {  	_ =	swait.ge [sflag:s21], $0x4000  }
0x8f: {  	[sflag:s21] =	ssyncset.done $0x0  }
0x90: {  	s26 =	simm.s32 $0x1E00;
	[sflag:s21] =	ssyncadd.s32 $0xFFFFC000  }
0x91: {  	[spmem:s3] =	stream.indirect.scatter.add.f32 [tilespmem:s19], [sflag:$0x4], $0x80, s26, s18, $0xb8;
	[tilespmem:$0x1EC00] =	vst v63  }
0x92: {  	_ =	swait.ge [sflag:s11], $0x4000  }
0x93: {  	[sflag:s11] =	ssyncset.done $0x0  }
0x94: {  	s26 =	simm.s32 $0x700;
	[sflag:s11] =	ssyncadd.s32 $0xFFFFC000  }
0x95: {  	[tilespmem:s19], [sflag:$0x1] =	stream.indirect.gather [hbm4b:s0+s18], $0x80, s26, s18, $0xb8;
	[tilespmem:$0x1EC00] =	vst v63  }
0x96: {  	_ =	swait.ge [sflag:s23], $0x4000  }
0x97: {  	[sflag:s23] =	ssyncset.done $0x0  }
0x98: {  	s26 =	simm.s32 $0x1E80;
	[sflag:s23] =	ssyncadd.s32 $0xFFFFC000  }
0x99: {  	[spmem:s3] =	stream.indirect.scatter.add.f32 [tilespmem:s20], [sflag:$0x4], $0x80, s26, s18, $0xb8;
	[tilespmem:$0x1EC00] =	vst v63  }
0x9a: {  	_ =	swait.ge [sflag:s11], $0x4000  }
0x9b: {  	[sflag:s11] =	ssyncset.done $0x0  }
0x9c: {  	s26 =	simm.s32 $0x780;
	[sflag:s11] =	ssyncadd.s32 $0xFFFFC000  }
0x9d: {  	[tilespmem:s20], [sflag:$0x2] =	stream.indirect.gather [hbm4b:s0+s18], $0x80, s26, s18, $0xb8;
	[tilespmem:$0x1EC00] =	vst v63  }
0x9e: {  	_ =	swait.ge [sflag:s21], $0x4000  }
0x9f: {  	[sflag:s21] =	ssyncset.done $0x0  }
0xa0: {  	s26 =	simm.s32 $0x1F00;
	[sflag:s21] =	ssyncadd.s32 $0xFFFFC000  }
0xa1: {  	[spmem:s3] =	stream.indirect.scatter.add.f32 [tilespmem:s19], [sflag:$0x4], $0x80, s26, s18, $0xb8;
	[tilespmem:$0x1EC00] =	vst v63  }
0xa2: {  	_ =	swait.ge [sflag:s11], $0x4000  }
0xa3: {  	[sflag:s11] =	ssyncset.done $0x0  }
0xa4: {  	s26 =	simm.s32 $0x800;
	[sflag:s11] =	ssyncadd.s32 $0xFFFFC000  }
0xa5: {  	[tilespmem:s19], [sflag:$0x1] =	stream.indirect.gather [hbm4b:s0+s18], $0x80, s26, s18, $0xb8;
	[tilespmem:$0x1EC00] =	vst v63  }
0xa6: {  	_ =	swait.ge [sflag:s23], $0x4000  }
0xa7: {  	[sflag:s23] =	ssyncset.done $0x0  }
0xa8: {  	s26 =	simm.s32 $0x1F80;
	[sflag:s23] =	ssyncadd.s32 $0xFFFFC000  }
0xa9: {  	[spmem:s3] =	stream.indirect.scatter.add.f32 [tilespmem:s20], [sflag:$0x4], $0x80, s26, s18, $0xb8;
	[tilespmem:$0x1EC00] =	vst v63  }
0xaa: {  	_ =	swait.ge [sflag:s11], $0x4000  }
0xab: {  	[sflag:s11] =	ssyncset.done $0x0  }
0xac: {  	s26 =	simm.s32 $0x880;
	[sflag:s11] =	ssyncadd.s32 $0xFFFFC000  }
0xad: {  	[tilespmem:s20], [sflag:$0x2] =	stream.indirect.gather [hbm4b:s0+s18], $0x80, s26, s18, $0xb8;
	[tilespmem:$0x1EC00] =	vst v63  }
0xae: {  	_ =	swait.ge [sflag:s21], $0x4000  }
0xaf: {  	[sflag:s21] =	ssyncset.done $0x0  }
0xb0: {  	s26 =	simm.s32 $0x2000;
	[sflag:s21] =	ssyncadd.s32 $0xFFFFC000  }
0xb1: {  	[spmem:s3] =	stream.indirect.scatter.add.f32 [tilespmem:s19], [sflag:$0x4], $0x80, s26, s18, $0xb8;
	[tilespmem:$0x1EC00] =	vst v63  }
0xb2: {  	_ =	swait.ge [sflag:s11], $0x4000  }
0xb3: {  	[sflag:s11] =	ssyncset.done $0x0  }
0xb4: {  	s26 =	simm.s32 $0x900;
	[sflag:s11] =	ssyncadd.s32 $0xFFFFC000  }
0xb5: {  	[tilespmem:s19], [sflag:$0x1] =	stream.indirect.gather [hbm4b:s0+s18], $0x80, s26, s18, $0xb8;
	[tilespmem:$0x1EC00] =	vst v63  }
0xb6: {  	_ =	swait.ge [sflag:s23], $0x4000  }
0xb7: {  	[sflag:s23] =	ssyncset.done $0x0  }
0xb8: {  	s26 =	simm.s32 $0x2080;
	[sflag:s23] =	ssyncadd.s32 $0xFFFFC000  }
0xb9: {  	[spmem:s3] =	stream.indirect.scatter.add.f32 [tilespmem:s20], [sflag:$0x4], $0x80, s26, s18, $0xb8;
	[tilespmem:$0x1EC00] =	vst v63  }
0xba: {  	_ =	swait.ge [sflag:s11], $0x4000  }
0xbb: {  	[sflag:s11] =	ssyncset.done $0x0  }
0xbc: {  	s26 =	simm.s32 $0x980;
	[sflag:s11] =	ssyncadd.s32 $0xFFFFC000  }
0xbd: {  	[tilespmem:s20], [sflag:$0x2] =	stream.indirect.gather [hbm4b:s0+s18], $0x80, s26, s18, $0xb8;
	[tilespmem:$0x1EC00] =	vst v63  }
0xbe: {  	_ =	swait.ge [sflag:s21], $0x4000  }
0xbf: {  	[sflag:s21] =	ssyncset.done $0x0  }
0xc0: {  	s26 =	simm.s32 $0x2100;
	[sflag:s21] =	ssyncadd.s32 $0xFFFFC000  }
0xc1: {  	[spmem:s3] =	stream.indirect.scatter.add.f32 [tilespmem:s19], [sflag:$0x4], $0x80, s26, s18, $0xb8;
	[tilespmem:$0x1EC00] =	vst v63  }
0xc2: {  	_ =	swait.ge [sflag:s11], $0x4000  }
0xc3: {  	[sflag:s11] =	ssyncset.done $0x0  }
0xc4: {  	[sflag:s11] =	ssyncadd.s32 $0xFFFFC000  }
0xc5: {  	_ =	swait.ge [sflag:s23], $0x4000  }
0xc6: {  	[sflag:s23] =	ssyncset.done $0x0  }
0xc7: {  	s26 =	simm.s32 $0x2180;
	[sflag:s23] =	ssyncadd.s32 $0xFFFFC000  }
0xc8: {  	[spmem:s3] =	stream.indirect.scatter.add.f32 [tilespmem:s20], [sflag:$0x4], $0x80, s26, s18, $0xb8;
	[tilespmem:$0x1EC00] =	vst v63  }
0xc9: {  	_ =	swait.ge [sflag:s11], $0x4000  }
0xca: {  	[sflag:s11] =	ssyncset.done $0x0  }
0xcb: {  	[sflag:s11] =	ssyncadd.s32 $0xFFFFC000  }
0xcc: {  	_ =	swait.ge [sflag:s15], $0xA00  }
0xcd: {  	[sflag:s15] =	ssyncset.done $0x0  }
0xce: {  	[sflag:s15] =	ssyncadd.s32 $0xFFFFF600  }
0xcf: {  	_ =	swait.ge [sflag:s15], $0xA00  }
0xd0: {  	[sflag:s15] =	ssyncset.done $0x0  }
0xd1: {  	s25 =	simm.s32 @p0 $0x0;
	[sflag:s15] =	ssyncadd.s32 $0xFFFFF600  }
0xd2: {  	[tilespmem:s25], [sflag:$0x3] =	stream.linear.gather @p0 [hbm4b:s13+s25], $0xA00, $0x38;
	[tilespmem:$0x1EC00] =	vst v63  }
0xd3: {  	s26 =	simm.s32 @p0 $0x1800  }
0xd4: {  	[tilespmem:s26], [sflag:$0x3] =	stream.linear.gather @p0 [hbm4b:s14+s25], $0xA00, $0x38;
	[tilespmem:$0x1EC00] =	vst v63  }
0xd5: {  	_ = 	snop  }
0xd6: {  	[tilespmem:s19], [sflag:$0x1] =	stream.indirect.gather [hbm4b:s0+s18], $0x80, s16, s18, $0xb8;
	[tilespmem:$0x1EC00] =	vst v63  }
0xd7: {  	s26 =	simm.s32 $0xC80  }
0xd8: {  	[tilespmem:s20], [sflag:$0x2] =	stream.indirect.gather [hbm4b:s0+s18], $0x80, s26, s18, $0xb8;
	[tilespmem:$0x1EC00] =	vst v63  }
0xd9: {  	_ =	swait.ge [sflag:s21], $0x4000  }
0xda: {  	[sflag:s21] =	ssyncset.done $0x0  }
0xdb: {  	[sflag:s21] =	ssyncadd.s32 $0xFFFFC000  }
0xdc: {  	[spmem:s3] =	stream.indirect.scatter.add.f32 [tilespmem:s19], [sflag:$0x4], $0x80, s17, s18, $0xb8;
	[tilespmem:$0x1EC00] =	vst v63  }
0xdd: {  	_ =	swait.ge [sflag:s11], $0x4000  }
0xde: {  	[sflag:s11] =	ssyncset.done $0x0  }
0xdf: {  	s26 =	simm.s32 $0xD00;
	[sflag:s11] =	ssyncadd.s32 $0xFFFFC000  }
0xe0: {  	[tilespmem:s19], [sflag:$0x1] =	stream.indirect.gather [hbm4b:s0+s18], $0x80, s26, s18, $0xb8;
	[tilespmem:$0x1EC00] =	vst v63  }
0xe1: {  	_ =	swait.ge [sflag:s23], $0x4000  }
0xe2: {  	[sflag:s23] =	ssyncset.done $0x0  }
0xe3: {  	s26 =	simm.s32 $0x2480;
	[sflag:s23] =	ssyncadd.s32 $0xFFFFC000  }
0xe4: {  	[spmem:s3] =	stream.indirect.scatter.add.f32 [tilespmem:s20], [sflag:$0x4], $0x80, s26, s18, $0xb8;
	[tilespmem:$0x1EC00] =	vst v63  }
0xe5: {  	_ =	swait.ge [sflag:s11], $0x4000  }
0xe6: {  	[sflag:s11] =	ssyncset.done $0x0  }
0xe7: {  	s26 =	simm.s32 $0xD80;
	[sflag:s11] =	ssyncadd.s32 $0xFFFFC000  }
0xe8: {  	[tilespmem:s20], [sflag:$0x2] =	stream.indirect.gather [hbm4b:s0+s18], $0x80, s26, s18, $0xb8;
	[tilespmem:$0x1EC00] =	vst v63  }
0xe9: {  	_ =	swait.ge [sflag:s21], $0x4000  }
0xea: {  	[sflag:s21] =	ssyncset.done $0x0  }
0xeb: {  	s26 =	simm.s32 $0x2500;
	[sflag:s21] =	ssyncadd.s32 $0xFFFFC000  }
0xec: {  	[spmem:s3] =	stream.indirect.scatter.add.f32 [tilespmem:s19], [sflag:$0x4], $0x80, s26, s18, $0xb8;
	[tilespmem:$0x1EC00] =	vst v63  }
0xed: {  	_ =	swait.ge [sflag:s11], $0x4000  }
0xee: {  	[sflag:s11] =	ssyncset.done $0x0  }
0xef: {  	s26 =	simm.s32 $0xE00;
	[sflag:s11] =	ssyncadd.s32 $0xFFFFC000  }
0xf0: {  	[tilespmem:s19], [sflag:$0x1] =	stream.indirect.gather [hbm4b:s0+s18], $0x80, s26, s18, $0xb8;
	[tilespmem:$0x1EC00] =	vst v63  }
0xf1: {  	_ =	swait.ge [sflag:s23], $0x4000  }
0xf2: {  	[sflag:s23] =	ssyncset.done $0x0  }
0xf3: {  	s26 =	simm.s32 $0x2580;
	[sflag:s23] =	ssyncadd.s32 $0xFFFFC000  }
0xf4: {  	[spmem:s3] =	stream.indirect.scatter.add.f32 [tilespmem:s20], [sflag:$0x4], $0x80, s26, s18, $0xb8;
	[tilespmem:$0x1EC00] =	vst v63  }
0xf5: {  	_ =	swait.ge [sflag:s11], $0x4000  }
0xf6: {  	[sflag:s11] =	ssyncset.done $0x0  }
0xf7: {  	s26 =	simm.s32 $0xE80;
	[sflag:s11] =	ssyncadd.s32 $0xFFFFC000  }
0xf8: {  	[tilespmem:s20], [sflag:$0x2] =	stream.indirect.gather [hbm4b:s0+s18], $0x80, s26, s18, $0xb8;
	[tilespmem:$0x1EC00] =	vst v63  }
0xf9: {  	_ =	swait.ge [sflag:s21], $0x4000  }
0xfa: {  	[sflag:s21] =	ssyncset.done $0x0  }
0xfb: {  	s26 =	simm.s32 $0x2600;
	[sflag:s21] =	ssyncadd.s32 $0xFFFFC000  }
0xfc: {  	[spmem:s3] =	stream.indirect.scatter.add.f32 [tilespmem:s19], [sflag:$0x4], $0x80, s26, s18, $0xb8;
	[tilespmem:$0x1EC00] =	vst v63  }
0xfd: {  	_ =	swait.ge [sflag:s11], $0x4000  }
0xfe: {  	[sflag:s11] =	ssyncset.done $0x0  }
0xff: {  	s26 =	simm.s32 $0xF00;
	[sflag:s11] =	ssyncadd.s32 $0xFFFFC000  }
0x100: {  	[tilespmem:s19], [sflag:$0x1] =	stream.indirect.gather [hbm4b:s0+s18], $0x80, s26, s18, $0xb8;
	[tilespmem:$0x1EC00] =	vst v63  }
0x101: {  	_ =	swait.ge [sflag:s23], $0x4000  }
0x102: {  	[sflag:s23] =	ssyncset.done $0x0  }
0x103: {  	s26 =	simm.s32 $0x2680;
	[sflag:s23] =	ssyncadd.s32 $0xFFFFC000  }
0x104: {  	[spmem:s3] =	stream.indirect.scatter.add.f32 [tilespmem:s20], [sflag:$0x4], $0x80, s26, s18, $0xb8;
	[tilespmem:$0x1EC00] =	vst v63  }
0x105: {  	_ =	swait.ge [sflag:s11], $0x4000  }
0x106: {  	[sflag:s11] =	ssyncset.done $0x0  }
0x107: {  	s26 =	simm.s32 $0xF80;
	[sflag:s11] =	ssyncadd.s32 $0xFFFFC000  }
0x108: {  	[tilespmem:s20], [sflag:$0x2] =	stream.indirect.gather [hbm4b:s0+s18], $0x80, s26, s18, $0xb8;
	[tilespmem:$0x1EC00] =	vst v63  }
0x109: {  	_ =	swait.ge [sflag:s21], $0x4000  }
0x10a: {  	[sflag:s21] =	ssyncset.done $0x0  }
0x10b: {  	s26 =	simm.s32 $0x2700;
	[sflag:s21] =	ssyncadd.s32 $0xFFFFC000  }
0x10c: {  	[spmem:s3] =	stream.indirect.scatter.add.f32 [tilespmem:s19], [sflag:$0x4], $0x80, s26, s18, $0xb8;
	[tilespmem:$0x1EC00] =	vst v63  }
0x10d: {  	_ =	swait.ge [sflag:s11], $0x4000  }
0x10e: {  	[sflag:s11] =	ssyncset.done $0x0  }
0x10f: {  	s26 =	simm.s32 $0x1000;
	[sflag:s11] =	ssyncadd.s32 $0xFFFFC000  }
0x110: {  	[tilespmem:s19], [sflag:$0x1] =	stream.indirect.gather [hbm4b:s0+s18], $0x80, s26, s18, $0xb8;
	[tilespmem:$0x1EC00] =	vst v63  }
0x111: {  	_ =	swait.ge [sflag:s23], $0x4000  }
0x112: {  	[sflag:s23] =	ssyncset.done $0x0  }
0x113: {  	s26 =	simm.s32 $0x2780;
	[sflag:s23] =	ssyncadd.s32 $0xFFFFC000  }
0x114: {  	[spmem:s3] =	stream.indirect.scatter.add.f32 [tilespmem:s20], [sflag:$0x4], $0x80, s26, s18, $0xb8;
	[tilespmem:$0x1EC00] =	vst v63  }
0x115: {  	_ =	swait.ge [sflag:s11], $0x4000  }
0x116: {  	[sflag:s11] =	ssyncset.done $0x0  }
0x117: {  	s26 =	simm.s32 $0x1080;
	[sflag:s11] =	ssyncadd.s32 $0xFFFFC000  }
0x118: {  	[tilespmem:s20], [sflag:$0x2] =	stream.indirect.gather [hbm4b:s0+s18], $0x80, s26, s18, $0xb8;
	[tilespmem:$0x1EC00] =	vst v63  }
0x119: {  	_ =	swait.ge [sflag:s21], $0x4000  }
0x11a: {  	[sflag:s21] =	ssyncset.done $0x0  }
0x11b: {  	s26 =	simm.s32 $0x2800;
	[sflag:s21] =	ssyncadd.s32 $0xFFFFC000  }
0x11c: {  	[spmem:s3] =	stream.indirect.scatter.add.f32 [tilespmem:s19], [sflag:$0x4], $0x80, s26, s18, $0xb8;
	[tilespmem:$0x1EC00] =	vst v63  }
0x11d: {  	_ =	swait.ge [sflag:s11], $0x4000  }
0x11e: {  	[sflag:s11] =	ssyncset.done $0x0  }
0x11f: {  	s26 =	simm.s32 $0x1100;
	[sflag:s11] =	ssyncadd.s32 $0xFFFFC000  }
0x120: {  	[tilespmem:s19], [sflag:$0x1] =	stream.indirect.gather [hbm4b:s0+s18], $0x80, s26, s18, $0xb8;
	[tilespmem:$0x1EC00] =	vst v63  }
0x121: {  	_ =	swait.ge [sflag:s23], $0x4000  }
0x122: {  	[sflag:s23] =	ssyncset.done $0x0  }
0x123: {  	s26 =	simm.s32 $0x2880;
	[sflag:s23] =	ssyncadd.s32 $0xFFFFC000  }
0x124: {  	[spmem:s3] =	stream.indirect.scatter.add.f32 [tilespmem:s20], [sflag:$0x4], $0x80, s26, s18, $0xb8;
	[tilespmem:$0x1EC00] =	vst v63  }
0x125: {  	_ =	swait.ge [sflag:s11], $0x4000  }
0x126: {  	[sflag:s11] =	ssyncset.done $0x0  }
0x127: {  	s26 =	simm.s32 $0x1180;
	[sflag:s11] =	ssyncadd.s32 $0xFFFFC000  }
0x128: {  	[tilespmem:s20], [sflag:$0x2] =	stream.indirect.gather [hbm4b:s0+s18], $0x80, s26, s18, $0xb8;
	[tilespmem:$0x1EC00] =	vst v63  }
0x129: {  	_ =	swait.ge [sflag:s21], $0x4000  }
0x12a: {  	[sflag:s21] =	ssyncset.done $0x0  }
0x12b: {  	s26 =	simm.s32 $0x2900;
	[sflag:s21] =	ssyncadd.s32 $0xFFFFC000  }
0x12c: {  	[spmem:s3] =	stream.indirect.scatter.add.f32 [tilespmem:s19], [sflag:$0x4], $0x80, s26, s18, $0xb8;
	[tilespmem:$0x1EC00] =	vst v63  }
0x12d: {  	_ =	swait.ge [sflag:s11], $0x4000  }
0x12e: {  	[sflag:s11] =	ssyncset.done $0x0  }
0x12f: {  	s26 =	simm.s32 $0x1200;
	[sflag:s11] =	ssyncadd.s32 $0xFFFFC000  }
0x130: {  	[tilespmem:s19], [sflag:$0x1] =	stream.indirect.gather [hbm4b:s0+s18], $0x80, s26, s18, $0xb8;
	[tilespmem:$0x1EC00] =	vst v63  }
0x131: {  	_ =	swait.ge [sflag:s23], $0x4000  }
0x132: {  	[sflag:s23] =	ssyncset.done $0x0  }
0x133: {  	s26 =	simm.s32 $0x2980;
	[sflag:s23] =	ssyncadd.s32 $0xFFFFC000  }
0x134: {  	[spmem:s3] =	stream.indirect.scatter.add.f32 [tilespmem:s20], [sflag:$0x4], $0x80, s26, s18, $0xb8;
	[tilespmem:$0x1EC00] =	vst v63  }
0x135: {  	_ =	swait.ge [sflag:s11], $0x4000  }
0x136: {  	[sflag:s11] =	ssyncset.done $0x0  }
0x137: {  	s26 =	simm.s32 $0x1280;
	[sflag:s11] =	ssyncadd.s32 $0xFFFFC000  }
0x138: {  	[tilespmem:s20], [sflag:$0x2] =	stream.indirect.gather [hbm4b:s0+s18], $0x80, s26, s18, $0xb8;
	[tilespmem:$0x1EC00] =	vst v63  }
0x139: {  	_ =	swait.ge [sflag:s21], $0x4000  }
0x13a: {  	[sflag:s21] =	ssyncset.done $0x0  }
0x13b: {  	s26 =	simm.s32 $0x2A00;
	[sflag:s21] =	ssyncadd.s32 $0xFFFFC000  }
0x13c: {  	[spmem:s3] =	stream.indirect.scatter.add.f32 [tilespmem:s19], [sflag:$0x4], $0x80, s26, s18, $0xb8;
	[tilespmem:$0x1EC00] =	vst v63  }
0x13d: {  	_ =	swait.ge [sflag:s11], $0x4000  }
0x13e: {  	[sflag:s11] =	ssyncset.done $0x0  }
0x13f: {  	[sflag:s11] =	ssyncadd.s32 $0xFFFFC000  }
0x140: {  	[tilespmem:s19], [sflag:$0x1] =	stream.indirect.gather [hbm4b:s0+s18], $0x80, s22, s18, $0xb8;
	[tilespmem:$0x1EC00] =	vst v63  }
0x141: {  	_ =	swait.ge [sflag:s23], $0x4000  }
0x142: {  	[sflag:s23] =	ssyncset.done $0x0  }
0x143: {  	[sflag:s23] =	ssyncadd.s32 $0xFFFFC000  }
0x144: {  	[spmem:s3] =	stream.indirect.scatter.add.f32 [tilespmem:s20], [sflag:$0x4], $0x80, s28, s18, $0xb8;
	[tilespmem:$0x1EC00] =	vst v63  }
0x145: {  	_ =	swait.ge [sflag:s11], $0x4000  }
0x146: {  	[sflag:s11] =	ssyncset.done $0x0  }
0x147: {  	[sflag:s11] =	ssyncadd.s32 $0xFFFFC000  }
0x148: {  	[tilespmem:s20], [sflag:$0x2] =	stream.indirect.gather [hbm4b:s0+s18], $0x80, s29, s18, $0xb8;
	[tilespmem:$0x1EC00] =	vst v63  }
0x149: {  	_ =	swait.ge [sflag:s21], $0x4000  }
0x14a: {  	[sflag:s21] =	ssyncset.done $0x0  }
0x14b: {  	[sflag:s21] =	ssyncadd.s32 $0xFFFFC000  }
0x14c: {  	[spmem:s3] =	stream.indirect.scatter.add.f32 [tilespmem:s19], [sflag:$0x4], $0x80, s30, s18, $0xb8;
	[tilespmem:$0x1EC00] =	vst v63  }
0x14d: {  	_ =	swait.ge [sflag:s11], $0x4000  }
0x14e: {  	[sflag:s11] =	ssyncset.done $0x0  }
0x14f: {  	[sflag:s11] =	ssyncadd.s32 $0xFFFFC000  }
0x150: {  	[tilespmem:s19], [sflag:$0x1] =	stream.indirect.gather [hbm4b:s0+s18], $0x80, s31, s18, $0xb8;
	[tilespmem:$0x1EC00] =	vst v63  }
0x151: {  	_ =	swait.ge [sflag:s23], $0x4000  }
0x152: {  	[sflag:s23] =	ssyncset.done $0x0  }
0x153: {  	[sflag:s23] =	ssyncadd.s32 $0xFFFFC000  }
0x154: {  	[spmem:s3] =	stream.indirect.scatter.add.f32 [tilespmem:s20], [sflag:$0x4], $0x80, s2, s18, $0xb8;
	[tilespmem:$0x1EC00] =	vst v63  }
0x155: {  	_ =	swait.ge [sflag:s11], $0x4000  }
0x156: {  	[sflag:s11] =	ssyncset.done $0x0  }
0x157: {  	[sflag:s11] =	ssyncadd.s32 $0xFFFFC000  }
0x158: {  	[tilespmem:s20], [sflag:$0x2] =	stream.indirect.gather [hbm4b:s0+s18], $0x80, s1, s18, $0xb8;
	[tilespmem:$0x1EC00] =	vst v63  }
0x159: {  	_ =	swait.ge [sflag:s21], $0x4000  }
0x15a: {  	[sflag:s21] =	ssyncset.done $0x0  }
0x15b: {  	[sflag:s21] =	ssyncadd.s32 $0xFFFFC000  }
0x15c: {  	[spmem:s3] =	stream.indirect.scatter.add.f32 [tilespmem:s19], [sflag:$0x4], $0x80, s5, s18, $0xb8;
	[tilespmem:$0x1EC00] =	vst v63  }
0x15d: {  	_ =	swait.ge [sflag:s11], $0x4000  }
0x15e: {  	[sflag:s11] =	ssyncset.done $0x0  }
0x15f: {  	[sflag:s11] =	ssyncadd.s32 $0xFFFFC000  }
0x160: {  	[tilespmem:s19], [sflag:$0x1] =	stream.indirect.gather [hbm4b:s0+s18], $0x80, s9, s18, $0xb8;
	[tilespmem:$0x1EC00] =	vst v63  }
0x161: {  	_ =	swait.ge [sflag:s23], $0x4000  }
0x162: {  	[sflag:s23] =	ssyncset.done $0x0  }
0x163: {  	[sflag:s23] =	ssyncadd.s32 $0xFFFFC000  }
0x164: {  	[spmem:s3] =	stream.indirect.scatter.add.f32 [tilespmem:s20], [sflag:$0x4], $0x80, s12, s18, $0xb8;
	[tilespmem:$0x1EC00] =	vst v63  }
0x165: {  	_ =	swait.ge [sflag:s11], $0x4000  }
0x166: {  	[sflag:s11] =	ssyncset.done $0x0  }
0x167: {  	[sflag:s11] =	ssyncadd.s32 $0xFFFFC000  }
0x168: {  	[tilespmem:s20], [sflag:$0x2] =	stream.indirect.gather [hbm4b:s0+s18], $0x80, s24, s18, $0xb8;
	[tilespmem:$0x1EC00] =	vst v63  }
0x169: {  	_ =	swait.ge [sflag:s21], $0x4000  }
0x16a: {  	[sflag:s21] =	ssyncset.done $0x0  }
0x16b: {  	[sflag:s21] =	ssyncadd.s32 $0xFFFFC000  }
0x16c: {  	[spmem:s3] =	stream.indirect.scatter.add.f32 [tilespmem:s19], [sflag:$0x4], $0x80, s6, s18, $0xb8;
	[tilespmem:$0x1EC00] =	vst v63  }
0x16d: {  	_ =	swait.ge [sflag:s11], $0x4000  }
0x16e: {  	[sflag:s11] =	ssyncset.done $0x0  }
0x16f: {  	[sflag:s11] =	ssyncadd.s32 $0xFFFFC000  }
0x170: {  	_ =	swait.ge [sflag:s23], $0x4000  }
0x171: {  	p1 =	por p0, p0;
	[sflag:s23] =	ssyncset.done $0x0  }
.Ltmp0:
0x172: {  	[sflag:s23] =	ssyncadd.s32 $0xFFFFC000;
	(pc) =	sbr.rel @p1 .LBB2_2-.Ltmp0, $4  }
0x173: {  	[spmem:s3] =	stream.indirect.scatter.add.f32 [tilespmem:s20], [sflag:$0x4], $0x80, s10, s18, $0xb8;
	[tilespmem:$0x1EC00] =	vst v63  }
0x174: {  	_ =	swait.ge [sflag:s11], $0x4000  }
0x175: {  	[sflag:s11] =	ssyncset.done $0x0  }
0x176: {  	s25 =	simm.s32 $0x480;
	p0 =	por $0x0, $0x0;
	[sflag:s11] =	ssyncadd.s32 $0xFFFFC000  }
0x177: {  	[bflag:$0x0] =	sbarrier.arrive $0xFFFF  }
0x178: {  	s26 =	rddreg [dreg:$0x6]  }
0x179: {  	s12 =	rddreg [dreg:$0x8]  }
0x17a: {  	s25 =	rddreg [dreg:$0x9]  }
0x17b: {  	[hbm:s25], [sflag:s26] =	dma.local [spmem:s12], $0x2780  }
0x17c: {  	_ =	swait.ge [sflag:s11], $0x2780  }
0x17d: {  	s1 =	rddreg [dreg:$0xa]  }
0x17e: {  	s25 =	rddreg [dreg:$0x7];
	s1 =	sadd.s32 $0x1, s1  }
0x17f: {  	p0 =	sne.s32 s1, s25  }
.Ltmp1:
0x180: {  	_ = 	snop;
	(pc) =	sbr.rel @p0 .LBB2_1-.Ltmp1, $3  }
0x181: {  	_ =	sdelay $0x1  }
0x182: {  	[sflag:s11] =	ssyncset.done $0x0  }
0x183: {  	[sflag:s11] =	ssyncadd.s32 $0xFFFFD880  }
0x184: {  	_ =	sfence.sel $0x180000  }
0x185: {  	[bflag:$0x0] =	sbarrier.arrive $0xFFFF  }
0x186: {  	_ =	strace $0x90000047  }
0x187: {  	s0 =	stileid.u32;
	[bflag:$0x2] =	sbarrier.arrive $0xFFFF  }
0x188: {  	p0 =	sne.s32 s0, $0x0;
	s0 =	rddreg [dreg:$0x4]  }
0x189: {  	s0 =	sadd.s32 @!p0 $0x100000, s0  }
0x18a: {  	[sflag:s0] =	ssyncadd.tile.s32 @!p0 $0x1;
	_ =	shalt  }
.Lfunc_end2:
_tile_overlayer_lowered:
.L_overlay_start_2:
0x18b: {  	(tag) =	ssettag $0x2  }
0x18c: {  	s0 =	rddreg [dreg:$0x0];
	s2 =	stileid.u32  }
0x18d: {  	s1 =	rddreg [dreg:$0x1];
	p0 =	sne.s32 s2, $0x0  }
0x18e: {  	s3 =	rddreg [dreg:$0x2];
	[bflag:$0x3] =	sbarrier.arrive $0xFFFF;
	s2 =	simm.s32 @!p0 $0x1C04  }
0x18f: {  	[timem:s3], [sflag:s2] =	dma.local @!p0 [hbm:s0], s1  }
0x190: {  	s0 =	simm.s32 @!p0 $0x4  }
0x191: {  	_ =	swait.ge @!p0 [sflag:s0], s1  }
0x192: {  	s1 =	ssub.s32 @!p0 $0x0, s1;
	[sflag:s0] =	ssyncset.done @!p0 $0x0  }
0x193: {  	[sflag:s0] =	ssyncadd.s32 @!p0 s1  }
0x194: {  	[bflag:$0x3] =	sbarrier.arrive $0xFFFF  }
0x195: {  	_ =	shalt  }

</sc_bundles>
